<compile_context>
chip_gen: v7x
topology: tpu7x:2x2x1
jax: 0.10.2.dev20260603
libtpu: 0.0.44.dev20260713+nightly
codegen_flags: <defaults>
</compile_context>

<pallas_src>
import jax
import jax.numpy as jnp
from jax import lax
from jax.experimental import pallas as pl
from jax.experimental.pallas import tpu as pltpu
from jax.experimental.pallas import tpu_sc as plsc

BATCH = 16384
NF = 8
NM = 32
NS = NF + NM
NROWS = 1_000_000

_info = plsc.get_sparse_core_info()
_NC, _NSUB = _info.num_cores, _info.num_subcores
NW = _NC * _NSUB
B_PER_W = BATCH // NW
CHUNK = 128
NCHUNK = B_PER_W // CHUNK


def _pack_body(ug_ref, um_ref, ig_ref, im_ref, out_ref):
    eye = jnp.eye(2 * NS, dtype=jnp.float32)
    cat = jnp.concatenate(
        [ug_ref[...], um_ref[...], ig_ref[...], im_ref[...]], axis=0)
    out_ref[...] = lax.dot_general(cat, eye, (((0,), (0,)), ((), ())),
                                   preferred_element_type=jnp.float32)


def _pack(ug_t, um_t, ig_t, im_t):
    bn = 16384
    col = lambda i: (0, i)
    return pl.pallas_call(
        _pack_body,
        grid=(pl.cdiv(NROWS, bn),),
        in_specs=[
            pl.BlockSpec((NF, bn), col),
            pl.BlockSpec((NM, bn), col),
            pl.BlockSpec((NF, bn), col),
            pl.BlockSpec((NM, bn), col),
        ],
        out_specs=pl.BlockSpec((bn, 2 * NS), lambda i: (i, 0)),
        out_shape=jax.ShapeDtypeStruct((NROWS, 2 * NS), jnp.float32),
        compiler_params=pltpu.CompilerParams(fuse_transposed_lhs_in_matmul=True),
        name="neumf_pack",
    )(ug_t, um_t, ig_t, im_t)


def _sc_gather_body(users_hbm, items_hbm, tab,
                    u_o, i_o,
                    idx_u, idx_i, u_v, i_v, sem):
    wid = lax.axis_index("s") * _NC + lax.axis_index("c")
    base = wid * B_PER_W
    pltpu.sync_copy(users_hbm.at[wid], idx_u)
    pltpu.sync_copy(items_hbm.at[wid], idx_i)
    copies = []
    for j in range(NCHUNK):
        dst = pl.ds(j * CHUNK, CHUNK)
        copies.append(pltpu.async_copy(tab.at[idx_u.at[j]], u_v.at[dst], sem))
        copies.append(pltpu.async_copy(tab.at[idx_i.at[j]], i_v.at[dst], sem))
    for c in copies:
        c.wait()
    out_rows = pl.ds(base, B_PER_W)
    pltpu.sync_copy(u_v, u_o.at[out_rows])
    pltpu.sync_copy(i_v, i_o.at[out_rows])


_sc_gather = pl.kernel(
    _sc_gather_body,
    out_type=(
        jax.ShapeDtypeStruct((BATCH, 2 * NS), jnp.float32),
        jax.ShapeDtypeStruct((BATCH, 2 * NS), jnp.float32),
    ),
    mesh=plsc.VectorSubcoreMesh(core_axis_name="c", subcore_axis_name="s"),
    scratch_types=[
        pltpu.VMEM((NCHUNK, CHUNK), jnp.int32),
        pltpu.VMEM((NCHUNK, CHUNK), jnp.int32),
        pltpu.VMEM((B_PER_W, 2 * NS), jnp.float32),
        pltpu.VMEM((B_PER_W, 2 * NS), jnp.float32),
        pltpu.SemaphoreType.DMA,
    ],
    compiler_params=pltpu.CompilerParams(use_tc_tiling_on_sc=False),
    name="neumf_sc_gather",
)


def _tc_mlp_body(u_ref, i_ref, w1_ref, b1_ref, w2_ref,
                 b2_ref, w3_ref, b3_ref, wl_ref, bl_ref, out_ref):
    dn = (((1,), (1,)), ((), ()))
    f32 = jnp.float32
    u = u_ref[...]
    i = i_ref[...]
    w1 = w1_ref[...]
    h1 = lax.dot_general(u[:, NF:NS], w1[:, :NM], dn, preferred_element_type=f32)
    h1 = h1 + lax.dot_general(i[:, NS + NF:], w1[:, NM:], dn, preferred_element_type=f32)
    h1 = jnp.maximum(h1 + b1_ref[...], 0.0)
    h2 = lax.dot_general(h1, w2_ref[...], dn, preferred_element_type=f32)
    h2 = jnp.maximum(h2 + b2_ref[...], 0.0)
    h3 = lax.dot_general(h2, w3_ref[...], dn, preferred_element_type=f32)
    h3 = jnp.maximum(h3 + b3_ref[...], 0.0)
    gmf = u[:, :NF] * i[:, NS:NS + NF]
    wl = wl_ref[...]
    out = lax.dot_general(gmf, wl[:, :NF], dn, preferred_element_type=f32)
    out = out + lax.dot_general(h3, wl[:, NF:], dn, preferred_element_type=f32)
    out_ref[...] = out + bl_ref[...]


def _tc_mlp(u, i, W1, b1, W2, b2, W3, b3, Wl, bl):
    bs = 2048
    grid = (BATCH // bs,)
    row = lambda i: (i, 0)
    rep = lambda i: (0, 0)
    return pl.pallas_call(
        _tc_mlp_body,
        grid=grid,
        in_specs=[
            pl.BlockSpec((bs, 2 * NS), row),
            pl.BlockSpec((bs, 2 * NS), row),
            pl.BlockSpec(W1.shape, rep),
            pl.BlockSpec((1, NM), rep),
            pl.BlockSpec(W2.shape, rep),
            pl.BlockSpec((1, 16), rep),
            pl.BlockSpec(W3.shape, rep),
            pl.BlockSpec((1, NF), rep),
            pl.BlockSpec((1, 16), rep),
            pl.BlockSpec((1, 1), rep),
        ],
        out_specs=pl.BlockSpec((bs, 1), row),
        out_shape=jax.ShapeDtypeStruct((BATCH, 1), jnp.float32),
        name="neumf_tc_mlp",
    )(u, i, W1, b1, W2, b2, W3, b3, Wl, bl)


def kernel(users, items, Ug, Ig, Um, Im, W1, b1, W2, b2, W3, b3, Wl, bl):
    u3 = users.astype(jnp.int32).reshape(NW, NCHUNK, CHUNK)
    i3 = items.astype(jnp.int32).reshape(NW, NCHUNK, CHUNK)
    tab = _pack(Ug.T, Um.T, Ig.T, Im.T)
    u_rows, i_rows = _sc_gather(u3, i3, tab)
    out = _tc_mlp(u_rows, i_rows,
                  W1, b1.reshape(1, -1), W2, b2.reshape(1, -1),
                  W3, b3.reshape(1, -1), Wl, bl.reshape(1, 1))
    return out.reshape(-1)

# --- scband reference (transcript-rebuilt; emitter-appended) ---
"""Pipeline reference for scband-neu-mf-31001073942596 (READ-ONLY COPY).

The authoritative reference and input builder live on the scoring server;
editing this copy changes nothing except your own understanding.
"""

import jax, jax.numpy as jnp
import numpy as np

NUM_USERS = 1000000
NUM_ITEMS = 1000000
NUM_FACTORS = 8
LAYERS = (64, 32, 16, 8)
BATCH = 16384


def setup_inputs(seed: int = 0) -> dict:
    key = jax.random.key(seed)
    ks = jax.random.split(key, 16)
    users = jax.random.randint(ks[0], (BATCH,), 0, NUM_USERS, dtype=jnp.int64 if jax.config.jax_enable_x64 else jnp.int32)
    items = jax.random.randint(ks[1], (BATCH,), 0, NUM_ITEMS, dtype=jnp.int64 if jax.config.jax_enable_x64 else jnp.int32)
    # GMF embeddings (std=0.01)
    Ug = 0.01 * jax.random.normal(ks[2], (NUM_USERS, NUM_FACTORS), dtype=jnp.float32)
    Ig = 0.01 * jax.random.normal(ks[3], (NUM_ITEMS, NUM_FACTORS), dtype=jnp.float32)
    # MLP embeddings: layers[0]//2 = 32 each
    Um = 0.01 * jax.random.normal(ks[4], (NUM_USERS, LAYERS[0] // 2), dtype=jnp.float32)
    Im = 0.01 * jax.random.normal(ks[5], (NUM_ITEMS, LAYERS[0] // 2), dtype=jnp.float32)
    # MLP linear layers (xavier uniform weights, zero-init-ish bias via uniform default -> use zeros for determinism)
    def xavier(k, fan_out, fan_in):
        limit = float(np.sqrt(6.0 / (fan_in + fan_out)))
        return jax.random.uniform(k, (fan_out, fan_in), minval=-limit, maxval=limit, dtype=jnp.float32)
    W1 = xavier(ks[6], LAYERS[1], LAYERS[0])
    b1 = jnp.zeros((LAYERS[1],), dtype=jnp.float32)
    W2 = xavier(ks[7], LAYERS[2], LAYERS[1])
    b2 = jnp.zeros((LAYERS[2],), dtype=jnp.float32)
    W3 = xavier(ks[8], LAYERS[3], LAYERS[2])
    b3 = jnp.zeros((LAYERS[3],), dtype=jnp.float32)
    # final NeuMF logit: in = num_factors + layers[-1] = 16
    Wl = 0.01 * jax.random.normal(ks[9], (1, NUM_FACTORS + LAYERS[-1]), dtype=jnp.float32)
    bl = jnp.zeros((1,), dtype=jnp.float32)
    return {
        "users": users, "items": items,
        "Ug": Ug, "Ig": Ig, "Um": Um, "Im": Im,
        "W1": W1, "b1": b1, "W2": W2, "b2": b2, "W3": W3, "b3": b3,
        "Wl": Wl, "bl": bl,
    }


def reference(users, items, Ug, Ig, Um, Im, W1, b1, W2, b2, W3, b3, Wl, bl):
    # GMF branch: elementwise product of user/item embeddings
    h_gmf = jnp.take(Ug, users, axis=0) * jnp.take(Ig, items, axis=0)  # [B, 8]
    # MLP branch: concat embeddings then MLP with relu
    eu = jnp.take(Um, users, axis=0)  # [B, 32]
    ei = jnp.take(Im, items, axis=0)  # [B, 32]
    h = jnp.concatenate([eu, ei], axis=-1)  # [B, 64]
    h = jax.nn.relu(h @ W1.T + b1)
    h = jax.nn.relu(h @ W2.T + b2)
    h_mlp = jax.nn.relu(h @ W3.T + b3)  # [B, 8]
    # NeuMF head
    hcat = jnp.concatenate([h_gmf, h_mlp], axis=-1)  # [B, 16]
    out = (hcat @ Wl.T + bl).reshape(-1)  # [B]
    return out

if __name__ == "__main__":
    import jax
    _d = setup_inputs()
    print(jax.jit(kernel)(*tuple(_d.values())))

</pallas_src>

<mosaic_0001>
#map = affine_map<(d0, d1) -> (0, 0, 0)>
#map1 = affine_map<(d0, d1) -> (0, 0)>
module attributes {stable_mosaic.version = 14 : i64} {
  func.func @neumf_sc_gather(%arg0: i32, %arg1: i32, %arg2: memref<32x4x128xi32, #tpu.memory_space<hbm>>, %arg3: memref<32x4x128xi32, #tpu.memory_space<hbm>>, %arg4: memref<1000000x80xf32, #tpu.memory_space<hbm>>, %arg5: memref<16384x80xf32, #tpu.memory_space<hbm>>, %arg6: memref<16384x80xf32, #tpu.memory_space<hbm>>, %arg7: memref<4x128xi32, #tpu.memory_space<vmem>>, %arg8: memref<4x128xi32, #tpu.memory_space<vmem>>, %arg9: memref<512x80xf32, #tpu.memory_space<vmem>>, %arg10: memref<512x80xf32, #tpu.memory_space<vmem>>, %arg11: memref<!tpu.dma_semaphore, #tpu.memory_space<semaphore_mem>>) attributes {dimension_semantics = [#tpu.dimension_semantics<core_parallel>, #tpu.dimension_semantics<subcore_parallel>], iteration_bounds = array<i64: 2, 16>, scalar_prefetch = 0 : i64, scratch_operands = 5 : i64, tpu.core_type = #tpu.core_type<sc_vector_subcore>, window_params = [{transform_indices = #map}, {transform_indices = #map}, {transform_indices = #map1}, {transform_indices = #map1}, {transform_indices = #map1}]} {
    %mul3A = arith.constant 2 : i32
    %mul3A_0 = arith.muli %arg1, %mul3A : i32
    %add3A = arith.addi %mul3A_0, %arg0 : i32
    %mul3A_1 = arith.constant 512 : i32
    %mul3A_2 = arith.muli %add3A, %mul3A_1 : i32
    "tpu.region"() ({
      %run_scoped3A = tpu.sem_alloc : memref<!tpu.dma_semaphore, #tpu.memory_space<semaphore_mem>>
      %dma_start3A_161 = arith.constant 0 : i32
      %dma_start3A_162 = arith.constant 0 : i32
      %dma_start3A_163 = tpu.memref_slice %arg2[%add3A, %dma_start3A_161, %dma_start3A_162] : memref<32x4x128xi32, #tpu.memory_space<hbm>> -> memref<1x4x128xi32, #tpu.memory_space<hbm>>
      %dma_start3A_164 = tpu.memref_squeeze %dma_start3A_163 : memref<1x4x128xi32, #tpu.memory_space<hbm>> -> memref<4x128xi32, #tpu.memory_space<hbm>>
      %dma_start3A_165 = arith.constant 0 : i32
      %dma_start3A_166 = arith.constant 0 : i32
      %dma_start3A_167 = tpu.memref_slice %arg2[%add3A, %dma_start3A_165, %dma_start3A_166] : memref<32x4x128xi32, #tpu.memory_space<hbm>> -> memref<1x4x128xi32, #tpu.memory_space<hbm>>
      %dma_start3A_168 = tpu.memref_squeeze %dma_start3A_167 : memref<1x4x128xi32, #tpu.memory_space<hbm>> -> memref<4x128xi32, #tpu.memory_space<hbm>>
      tpu.enqueue_dma source(%dma_start3A_168 : memref<4x128xi32, #tpu.memory_space<hbm>>) target(%arg7 : memref<4x128xi32, #tpu.memory_space<vmem>>) target_semaphore(%run_scoped3A : memref<!tpu.dma_semaphore, #tpu.memory_space<semaphore_mem>>)
      %dma_wait3A_169 = arith.constant 0 : i32
      %dma_wait3A_170 = arith.constant 0 : i32
      %dma_wait3A_171 = tpu.memref_slice %arg2[%add3A, %dma_wait3A_169, %dma_wait3A_170] : memref<32x4x128xi32, #tpu.memory_space<hbm>> -> memref<1x4x128xi32, #tpu.memory_space<hbm>>
      %dma_wait3A_172 = tpu.memref_squeeze %dma_wait3A_171 : memref<1x4x128xi32, #tpu.memory_space<hbm>> -> memref<4x128xi32, #tpu.memory_space<hbm>>
      %dma_wait3A_173 = arith.constant 0 : i32
      %dma_wait3A_174 = arith.constant 0 : i32
      %dma_wait3A_175 = tpu.memref_slice %arg2[%add3A, %dma_wait3A_173, %dma_wait3A_174] : memref<32x4x128xi32, #tpu.memory_space<hbm>> -> memref<1x4x128xi32, #tpu.memory_space<hbm>>
      %dma_wait3A_176 = tpu.memref_squeeze %dma_wait3A_175 : memref<1x4x128xi32, #tpu.memory_space<hbm>> -> memref<4x128xi32, #tpu.memory_space<hbm>>
      tpu.wait_dma2 semaphore(%run_scoped3A : memref<!tpu.dma_semaphore, #tpu.memory_space<semaphore_mem>>) src(%dma_wait3A_176 : memref<4x128xi32, #tpu.memory_space<hbm>>) dst(%arg7 : memref<4x128xi32, #tpu.memory_space<vmem>>)
      tpu.yield
    }) : () -> ()
    "tpu.region"() ({
      %run_scoped3A = tpu.sem_alloc : memref<!tpu.dma_semaphore, #tpu.memory_space<semaphore_mem>>
      %dma_start3A_161 = arith.constant 0 : i32
      %dma_start3A_162 = arith.constant 0 : i32
      %dma_start3A_163 = tpu.memref_slice %arg3[%add3A, %dma_start3A_161, %dma_start3A_162] : memref<32x4x128xi32, #tpu.memory_space<hbm>> -> memref<1x4x128xi32, #tpu.memory_space<hbm>>
      %dma_start3A_164 = tpu.memref_squeeze %dma_start3A_163 : memref<1x4x128xi32, #tpu.memory_space<hbm>> -> memref<4x128xi32, #tpu.memory_space<hbm>>
      %dma_start3A_165 = arith.constant 0 : i32
      %dma_start3A_166 = arith.constant 0 : i32
      %dma_start3A_167 = tpu.memref_slice %arg3[%add3A, %dma_start3A_165, %dma_start3A_166] : memref<32x4x128xi32, #tpu.memory_space<hbm>> -> memref<1x4x128xi32, #tpu.memory_space<hbm>>
      %dma_start3A_168 = tpu.memref_squeeze %dma_start3A_167 : memref<1x4x128xi32, #tpu.memory_space<hbm>> -> memref<4x128xi32, #tpu.memory_space<hbm>>
      tpu.enqueue_dma source(%dma_start3A_168 : memref<4x128xi32, #tpu.memory_space<hbm>>) target(%arg8 : memref<4x128xi32, #tpu.memory_space<vmem>>) target_semaphore(%run_scoped3A : memref<!tpu.dma_semaphore, #tpu.memory_space<semaphore_mem>>)
      %dma_wait3A_169 = arith.constant 0 : i32
      %dma_wait3A_170 = arith.constant 0 : i32
      %dma_wait3A_171 = tpu.memref_slice %arg3[%add3A, %dma_wait3A_169, %dma_wait3A_170] : memref<32x4x128xi32, #tpu.memory_space<hbm>> -> memref<1x4x128xi32, #tpu.memory_space<hbm>>
      %dma_wait3A_172 = tpu.memref_squeeze %dma_wait3A_171 : memref<1x4x128xi32, #tpu.memory_space<hbm>> -> memref<4x128xi32, #tpu.memory_space<hbm>>
      %dma_wait3A_173 = arith.constant 0 : i32
      %dma_wait3A_174 = arith.constant 0 : i32
      %dma_wait3A_175 = tpu.memref_slice %arg3[%add3A, %dma_wait3A_173, %dma_wait3A_174] : memref<32x4x128xi32, #tpu.memory_space<hbm>> -> memref<1x4x128xi32, #tpu.memory_space<hbm>>
      %dma_wait3A_176 = tpu.memref_squeeze %dma_wait3A_175 : memref<1x4x128xi32, #tpu.memory_space<hbm>> -> memref<4x128xi32, #tpu.memory_space<hbm>>
      tpu.wait_dma2 semaphore(%run_scoped3A : memref<!tpu.dma_semaphore, #tpu.memory_space<semaphore_mem>>) src(%dma_wait3A_176 : memref<4x128xi32, #tpu.memory_space<hbm>>) dst(%arg8 : memref<4x128xi32, #tpu.memory_space<vmem>>)
      tpu.yield
    }) : () -> ()
    %dma_start3A = arith.constant 0 : i32
    %dma_start3A_3 = arith.constant 0 : i32
    %dma_start3A_4 = arith.constant 0 : i32
    %dma_start3A_5 = tpu.memref_slice %arg9[%dma_start3A_3, %dma_start3A_4] : memref<512x80xf32, #tpu.memory_space<vmem>> -> memref<128x80xf32, #tpu.memory_space<vmem>>
    %dma_start3A_6 = arith.constant 0 : i32
    %dma_start3A_7 = tpu.memref_slice %arg7[%dma_start3A, %dma_start3A_6] : memref<4x128xi32, #tpu.memory_space<vmem>> -> memref<1x128xi32, #tpu.memory_space<vmem>>
    %dma_start3A_8 = tpu.memref_squeeze %dma_start3A_7 : memref<1x128xi32, #tpu.memory_space<vmem>> -> memref<128xi32, #tpu.memory_space<vmem>>
    %dma_start3A_9 = arith.constant 0 : i32
    %dma_start3A_10 = arith.constant 0 : i32
    %dma_start3A_11 = tpu.memref_slice %arg4[%dma_start3A_9, %dma_start3A_10] : memref<1000000x80xf32, #tpu.memory_space<hbm>> -> memref<1000000x80xf32, #tpu.memory_space<hbm>>
    tpu.enqueue_indirect_dma source(%dma_start3A_11 : memref<1000000x80xf32, #tpu.memory_space<hbm>>) target(%dma_start3A_5 : memref<128x80xf32, #tpu.memory_space<vmem>>) offsets(%dma_start3A_8 : memref<128xi32, #tpu.memory_space<vmem>>) semaphore(%arg11 : memref<!tpu.dma_semaphore, #tpu.memory_space<semaphore_mem>>)
    %dma_start3A_12 = arith.constant 0 : i32
    %dma_start3A_13 = arith.constant 0 : i32
    %dma_start3A_14 = arith.constant 0 : i32
    %dma_start3A_15 = tpu.memref_slice %arg10[%dma_start3A_13, %dma_start3A_14] : memref<512x80xf32, #tpu.memory_space<vmem>> -> memref<128x80xf32, #tpu.memory_space<vmem>>
    %dma_start3A_16 = arith.constant 0 : i32
    %dma_start3A_17 = tpu.memref_slice %arg8[%dma_start3A_12, %dma_start3A_16] : memref<4x128xi32, #tpu.memory_space<vmem>> -> memref<1x128xi32, #tpu.memory_space<vmem>>
    %dma_start3A_18 = tpu.memref_squeeze %dma_start3A_17 : memref<1x128xi32, #tpu.memory_space<vmem>> -> memref<128xi32, #tpu.memory_space<vmem>>
    %dma_start3A_19 = arith.constant 0 : i32
    %dma_start3A_20 = arith.constant 0 : i32
    %dma_start3A_21 = tpu.memref_slice %arg4[%dma_start3A_19, %dma_start3A_20] : memref<1000000x80xf32, #tpu.memory_space<hbm>> -> memref<1000000x80xf32, #tpu.memory_space<hbm>>
    tpu.enqueue_indirect_dma source(%dma_start3A_21 : memref<1000000x80xf32, #tpu.memory_space<hbm>>) target(%dma_start3A_15 : memref<128x80xf32, #tpu.memory_space<vmem>>) offsets(%dma_start3A_18 : memref<128xi32, #tpu.memory_space<vmem>>) semaphore(%arg11 : memref<!tpu.dma_semaphore, #tpu.memory_space<semaphore_mem>>)
    %dma_start3A_22 = arith.constant 1 : i32
    %dma_start3A_23 = arith.constant 128 : i32
    %dma_start3A_24 = arith.constant 0 : i32
    %dma_start3A_25 = tpu.memref_slice %arg9[%dma_start3A_23, %dma_start3A_24] : memref<512x80xf32, #tpu.memory_space<vmem>> -> memref<128x80xf32, #tpu.memory_space<vmem>>
    %dma_start3A_26 = arith.constant 0 : i32
    %dma_start3A_27 = tpu.memref_slice %arg7[%dma_start3A_22, %dma_start3A_26] : memref<4x128xi32, #tpu.memory_space<vmem>> -> memref<1x128xi32, #tpu.memory_space<vmem>>
    %dma_start3A_28 = tpu.memref_squeeze %dma_start3A_27 : memref<1x128xi32, #tpu.memory_space<vmem>> -> memref<128xi32, #tpu.memory_space<vmem>>
    %dma_start3A_29 = arith.constant 0 : i32
    %dma_start3A_30 = arith.constant 0 : i32
    %dma_start3A_31 = tpu.memref_slice %arg4[%dma_start3A_29, %dma_start3A_30] : memref<1000000x80xf32, #tpu.memory_space<hbm>> -> memref<1000000x80xf32, #tpu.memory_space<hbm>>
    tpu.enqueue_indirect_dma source(%dma_start3A_31 : memref<1000000x80xf32, #tpu.memory_space<hbm>>) target(%dma_start3A_25 : memref<128x80xf32, #tpu.memory_space<vmem>>) offsets(%dma_start3A_28 : memref<128xi32, #tpu.memory_space<vmem>>) semaphore(%arg11 : memref<!tpu.dma_semaphore, #tpu.memory_space<semaphore_mem>>)
    %dma_start3A_32 = arith.constant 1 : i32
    %dma_start3A_33 = arith.constant 128 : i32
    %dma_start3A_34 = arith.constant 0 : i32
    %dma_start3A_35 = tpu.memref_slice %arg10[%dma_start3A_33, %dma_start3A_34] : memref<512x80xf32, #tpu.memory_space<vmem>> -> memref<128x80xf32, #tpu.memory_space<vmem>>
    %dma_start3A_36 = arith.constant 0 : i32
    %dma_start3A_37 = tpu.memref_slice %arg8[%dma_start3A_32, %dma_start3A_36] : memref<4x128xi32, #tpu.memory_space<vmem>> -> memref<1x128xi32, #tpu.memory_space<vmem>>
    %dma_start3A_38 = tpu.memref_squeeze %dma_start3A_37 : memref<1x128xi32, #tpu.memory_space<vmem>> -> memref<128xi32, #tpu.memory_space<vmem>>
    %dma_start3A_39 = arith.constant 0 : i32
    %dma_start3A_40 = arith.constant 0 : i32
    %dma_start3A_41 = tpu.memref_slice %arg4[%dma_start3A_39, %dma_start3A_40] : memref<1000000x80xf32, #tpu.memory_space<hbm>> -> memref<1000000x80xf32, #tpu.memory_space<hbm>>
    tpu.enqueue_indirect_dma source(%dma_start3A_41 : memref<1000000x80xf32, #tpu.memory_space<hbm>>) target(%dma_start3A_35 : memref<128x80xf32, #tpu.memory_space<vmem>>) offsets(%dma_start3A_38 : memref<128xi32, #tpu.memory_space<vmem>>) semaphore(%arg11 : memref<!tpu.dma_semaphore, #tpu.memory_space<semaphore_mem>>)
    %dma_start3A_42 = arith.constant 2 : i32
    %dma_start3A_43 = arith.constant 256 : i32
    %dma_start3A_44 = arith.constant 0 : i32
    %dma_start3A_45 = tpu.memref_slice %arg9[%dma_start3A_43, %dma_start3A_44] : memref<512x80xf32, #tpu.memory_space<vmem>> -> memref<128x80xf32, #tpu.memory_space<vmem>>
    %dma_start3A_46 = arith.constant 0 : i32
    %dma_start3A_47 = tpu.memref_slice %arg7[%dma_start3A_42, %dma_start3A_46] : memref<4x128xi32, #tpu.memory_space<vmem>> -> memref<1x128xi32, #tpu.memory_space<vmem>>
    %dma_start3A_48 = tpu.memref_squeeze %dma_start3A_47 : memref<1x128xi32, #tpu.memory_space<vmem>> -> memref<128xi32, #tpu.memory_space<vmem>>
    %dma_start3A_49 = arith.constant 0 : i32
    %dma_start3A_50 = arith.constant 0 : i32
    %dma_start3A_51 = tpu.memref_slice %arg4[%dma_start3A_49, %dma_start3A_50] : memref<1000000x80xf32, #tpu.memory_space<hbm>> -> memref<1000000x80xf32, #tpu.memory_space<hbm>>
    tpu.enqueue_indirect_dma source(%dma_start3A_51 : memref<1000000x80xf32, #tpu.memory_space<hbm>>) target(%dma_start3A_45 : memref<128x80xf32, #tpu.memory_space<vmem>>) offsets(%dma_start3A_48 : memref<128xi32, #tpu.memory_space<vmem>>) semaphore(%arg11 : memref<!tpu.dma_semaphore, #tpu.memory_space<semaphore_mem>>)
    %dma_start3A_52 = arith.constant 2 : i32
    %dma_start3A_53 = arith.constant 256 : i32
    %dma_start3A_54 = arith.constant 0 : i32
    %dma_start3A_55 = tpu.memref_slice %arg10[%dma_start3A_53, %dma_start3A_54] : memref<512x80xf32, #tpu.memory_space<vmem>> -> memref<128x80xf32, #tpu.memory_space<vmem>>
    %dma_start3A_56 = arith.constant 0 : i32
    %dma_start3A_57 = tpu.memref_slice %arg8[%dma_start3A_52, %dma_start3A_56] : memref<4x128xi32, #tpu.memory_space<vmem>> -> memref<1x128xi32, #tpu.memory_space<vmem>>
    %dma_start3A_58 = tpu.memref_squeeze %dma_start3A_57 : memref<1x128xi32, #tpu.memory_space<vmem>> -> memref<128xi32, #tpu.memory_space<vmem>>
    %dma_start3A_59 = arith.constant 0 : i32
    %dma_start3A_60 = arith.constant 0 : i32
    %dma_start3A_61 = tpu.memref_slice %arg4[%dma_start3A_59, %dma_start3A_60] : memref<1000000x80xf32, #tpu.memory_space<hbm>> -> memref<1000000x80xf32, #tpu.memory_space<hbm>>
    tpu.enqueue_indirect_dma source(%dma_start3A_61 : memref<1000000x80xf32, #tpu.memory_space<hbm>>) target(%dma_start3A_55 : memref<128x80xf32, #tpu.memory_space<vmem>>) offsets(%dma_start3A_58 : memref<128xi32, #tpu.memory_space<vmem>>) semaphore(%arg11 : memref<!tpu.dma_semaphore, #tpu.memory_space<semaphore_mem>>)
    %dma_start3A_62 = arith.constant 3 : i32
    %dma_start3A_63 = arith.constant 384 : i32
    %dma_start3A_64 = arith.constant 0 : i32
    %dma_start3A_65 = tpu.memref_slice %arg9[%dma_start3A_63, %dma_start3A_64] : memref<512x80xf32, #tpu.memory_space<vmem>> -> memref<128x80xf32, #tpu.memory_space<vmem>>
    %dma_start3A_66 = arith.constant 0 : i32
    %dma_start3A_67 = tpu.memref_slice %arg7[%dma_start3A_62, %dma_start3A_66] : memref<4x128xi32, #tpu.memory_space<vmem>> -> memref<1x128xi32, #tpu.memory_space<vmem>>
    %dma_start3A_68 = tpu.memref_squeeze %dma_start3A_67 : memref<1x128xi32, #tpu.memory_space<vmem>> -> memref<128xi32, #tpu.memory_space<vmem>>
    %dma_start3A_69 = arith.constant 0 : i32
    %dma_start3A_70 = arith.constant 0 : i32
    %dma_start3A_71 = tpu.memref_slice %arg4[%dma_start3A_69, %dma_start3A_70] : memref<1000000x80xf32, #tpu.memory_space<hbm>> -> memref<1000000x80xf32, #tpu.memory_space<hbm>>
    tpu.enqueue_indirect_dma source(%dma_start3A_71 : memref<1000000x80xf32, #tpu.memory_space<hbm>>) target(%dma_start3A_65 : memref<128x80xf32, #tpu.memory_space<vmem>>) offsets(%dma_start3A_68 : memref<128xi32, #tpu.memory_space<vmem>>) semaphore(%arg11 : memref<!tpu.dma_semaphore, #tpu.memory_space<semaphore_mem>>)
    %dma_start3A_72 = arith.constant 3 : i32
    %dma_start3A_73 = arith.constant 384 : i32
    %dma_start3A_74 = arith.constant 0 : i32
    %dma_start3A_75 = tpu.memref_slice %arg10[%dma_start3A_73, %dma_start3A_74] : memref<512x80xf32, #tpu.memory_space<vmem>> -> memref<128x80xf32, #tpu.memory_space<vmem>>
    %dma_start3A_76 = arith.constant 0 : i32
    %dma_start3A_77 = tpu.memref_slice %arg8[%dma_start3A_72, %dma_start3A_76] : memref<4x128xi32, #tpu.memory_space<vmem>> -> memref<1x128xi32, #tpu.memory_space<vmem>>
    %dma_start3A_78 = tpu.memref_squeeze %dma_start3A_77 : memref<1x128xi32, #tpu.memory_space<vmem>> -> memref<128xi32, #tpu.memory_space<vmem>>
    %dma_start3A_79 = arith.constant 0 : i32
    %dma_start3A_80 = arith.constant 0 : i32
    %dma_start3A_81 = tpu.memref_slice %arg4[%dma_start3A_79, %dma_start3A_80] : memref<1000000x80xf32, #tpu.memory_space<hbm>> -> memref<1000000x80xf32, #tpu.memory_space<hbm>>
    tpu.enqueue_indirect_dma source(%dma_start3A_81 : memref<1000000x80xf32, #tpu.memory_space<hbm>>) target(%dma_start3A_75 : memref<128x80xf32, #tpu.memory_space<vmem>>) offsets(%dma_start3A_78 : memref<128xi32, #tpu.memory_space<vmem>>) semaphore(%arg11 : memref<!tpu.dma_semaphore, #tpu.memory_space<semaphore_mem>>)
    %dma_wait3A = arith.constant 0 : i32
    %dma_wait3A_82 = arith.constant 0 : i32
    %dma_wait3A_83 = arith.constant 0 : i32
    %dma_wait3A_84 = tpu.memref_slice %arg9[%dma_wait3A_82, %dma_wait3A_83] : memref<512x80xf32, #tpu.memory_space<vmem>> -> memref<128x80xf32, #tpu.memory_space<vmem>>
    %dma_wait3A_85 = arith.constant 0 : i32
    %dma_wait3A_86 = tpu.memref_slice %arg7[%dma_wait3A, %dma_wait3A_85] : memref<4x128xi32, #tpu.memory_space<vmem>> -> memref<1x128xi32, #tpu.memory_space<vmem>>
    %dma_wait3A_87 = tpu.memref_squeeze %dma_wait3A_86 : memref<1x128xi32, #tpu.memory_space<vmem>> -> memref<128xi32, #tpu.memory_space<vmem>>
    %dma_wait3A_88 = arith.constant 0 : i32
    %dma_wait3A_89 = arith.constant 0 : i32
    %dma_wait3A_90 = tpu.memref_slice %arg4[%dma_wait3A_88, %dma_wait3A_89] : memref<1000000x80xf32, #tpu.memory_space<hbm>> -> memref<1000000x80xf32, #tpu.memory_space<hbm>>
    tpu.wait_indirect_dma semaphore(%arg11 : memref<!tpu.dma_semaphore, #tpu.memory_space<semaphore_mem>>) src(%dma_wait3A_90 : memref<1000000x80xf32, #tpu.memory_space<hbm>>) dst(%dma_wait3A_84 : memref<128x80xf32, #tpu.memory_space<vmem>>)
    %dma_wait3A_91 = arith.constant 0 : i32
    %dma_wait3A_92 = arith.constant 0 : i32
    %dma_wait3A_93 = arith.constant 0 : i32
    %dma_wait3A_94 = tpu.memref_slice %arg10[%dma_wait3A_92, %dma_wait3A_93] : memref<512x80xf32, #tpu.memory_space<vmem>> -> memref<128x80xf32, #tpu.memory_space<vmem>>
    %dma_wait3A_95 = arith.constant 0 : i32
    %dma_wait3A_96 = tpu.memref_slice %arg8[%dma_wait3A_91, %dma_wait3A_95] : memref<4x128xi32, #tpu.memory_space<vmem>> -> memref<1x128xi32, #tpu.memory_space<vmem>>
    %dma_wait3A_97 = tpu.memref_squeeze %dma_wait3A_96 : memref<1x128xi32, #tpu.memory_space<vmem>> -> memref<128xi32, #tpu.memory_space<vmem>>
    %dma_wait3A_98 = arith.constant 0 : i32
    %dma_wait3A_99 = arith.constant 0 : i32
    %dma_wait3A_100 = tpu.memref_slice %arg4[%dma_wait3A_98, %dma_wait3A_99] : memref<1000000x80xf32, #tpu.memory_space<hbm>> -> memref<1000000x80xf32, #tpu.memory_space<hbm>>
    tpu.wait_indirect_dma semaphore(%arg11 : memref<!tpu.dma_semaphore, #tpu.memory_space<semaphore_mem>>) src(%dma_wait3A_100 : memref<1000000x80xf32, #tpu.memory_space<hbm>>) dst(%dma_wait3A_94 : memref<128x80xf32, #tpu.memory_space<vmem>>)
    %dma_wait3A_101 = arith.constant 1 : i32
    %dma_wait3A_102 = arith.constant 128 : i32
    %dma_wait3A_103 = arith.constant 0 : i32
    %dma_wait3A_104 = tpu.memref_slice %arg9[%dma_wait3A_102, %dma_wait3A_103] : memref<512x80xf32, #tpu.memory_space<vmem>> -> memref<128x80xf32, #tpu.memory_space<vmem>>
    %dma_wait3A_105 = arith.constant 0 : i32
    %dma_wait3A_106 = tpu.memref_slice %arg7[%dma_wait3A_101, %dma_wait3A_105] : memref<4x128xi32, #tpu.memory_space<vmem>> -> memref<1x128xi32, #tpu.memory_space<vmem>>
    %dma_wait3A_107 = tpu.memref_squeeze %dma_wait3A_106 : memref<1x128xi32, #tpu.memory_space<vmem>> -> memref<128xi32, #tpu.memory_space<vmem>>
    %dma_wait3A_108 = arith.constant 0 : i32
    %dma_wait3A_109 = arith.constant 0 : i32
    %dma_wait3A_110 = tpu.memref_slice %arg4[%dma_wait3A_108, %dma_wait3A_109] : memref<1000000x80xf32, #tpu.memory_space<hbm>> -> memref<1000000x80xf32, #tpu.memory_space<hbm>>
    tpu.wait_indirect_dma semaphore(%arg11 : memref<!tpu.dma_semaphore, #tpu.memory_space<semaphore_mem>>) src(%dma_wait3A_110 : memref<1000000x80xf32, #tpu.memory_space<hbm>>) dst(%dma_wait3A_104 : memref<128x80xf32, #tpu.memory_space<vmem>>)
    %dma_wait3A_111 = arith.constant 1 : i32
    %dma_wait3A_112 = arith.constant 128 : i32
    %dma_wait3A_113 = arith.constant 0 : i32
    %dma_wait3A_114 = tpu.memref_slice %arg10[%dma_wait3A_112, %dma_wait3A_113] : memref<512x80xf32, #tpu.memory_space<vmem>> -> memref<128x80xf32, #tpu.memory_space<vmem>>
    %dma_wait3A_115 = arith.constant 0 : i32
    %dma_wait3A_116 = tpu.memref_slice %arg8[%dma_wait3A_111, %dma_wait3A_115] : memref<4x128xi32, #tpu.memory_space<vmem>> -> memref<1x128xi32, #tpu.memory_space<vmem>>
    %dma_wait3A_117 = tpu.memref_squeeze %dma_wait3A_116 : memref<1x128xi32, #tpu.memory_space<vmem>> -> memref<128xi32, #tpu.memory_space<vmem>>
    %dma_wait3A_118 = arith.constant 0 : i32
    %dma_wait3A_119 = arith.constant 0 : i32
    %dma_wait3A_120 = tpu.memref_slice %arg4[%dma_wait3A_118, %dma_wait3A_119] : memref<1000000x80xf32, #tpu.memory_space<hbm>> -> memref<1000000x80xf32, #tpu.memory_space<hbm>>
    tpu.wait_indirect_dma semaphore(%arg11 : memref<!tpu.dma_semaphore, #tpu.memory_space<semaphore_mem>>) src(%dma_wait3A_120 : memref<1000000x80xf32, #tpu.memory_space<hbm>>) dst(%dma_wait3A_114 : memref<128x80xf32, #tpu.memory_space<vmem>>)
    %dma_wait3A_121 = arith.constant 2 : i32
    %dma_wait3A_122 = arith.constant 256 : i32
    %dma_wait3A_123 = arith.constant 0 : i32
    %dma_wait3A_124 = tpu.memref_slice %arg9[%dma_wait3A_122, %dma_wait3A_123] : memref<512x80xf32, #tpu.memory_space<vmem>> -> memref<128x80xf32, #tpu.memory_space<vmem>>
    %dma_wait3A_125 = arith.constant 0 : i32
    %dma_wait3A_126 = tpu.memref_slice %arg7[%dma_wait3A_121, %dma_wait3A_125] : memref<4x128xi32, #tpu.memory_space<vmem>> -> memref<1x128xi32, #tpu.memory_space<vmem>>
    %dma_wait3A_127 = tpu.memref_squeeze %dma_wait3A_126 : memref<1x128xi32, #tpu.memory_space<vmem>> -> memref<128xi32, #tpu.memory_space<vmem>>
    %dma_wait3A_128 = arith.constant 0 : i32
    %dma_wait3A_129 = arith.constant 0 : i32
    %dma_wait3A_130 = tpu.memref_slice %arg4[%dma_wait3A_128, %dma_wait3A_129] : memref<1000000x80xf32, #tpu.memory_space<hbm>> -> memref<1000000x80xf32, #tpu.memory_space<hbm>>
    tpu.wait_indirect_dma semaphore(%arg11 : memref<!tpu.dma_semaphore, #tpu.memory_space<semaphore_mem>>) src(%dma_wait3A_130 : memref<1000000x80xf32, #tpu.memory_space<hbm>>) dst(%dma_wait3A_124 : memref<128x80xf32, #tpu.memory_space<vmem>>)
    %dma_wait3A_131 = arith.constant 2 : i32
    %dma_wait3A_132 = arith.constant 256 : i32
    %dma_wait3A_133 = arith.constant 0 : i32
    %dma_wait3A_134 = tpu.memref_slice %arg10[%dma_wait3A_132, %dma_wait3A_133] : memref<512x80xf32, #tpu.memory_space<vmem>> -> memref<128x80xf32, #tpu.memory_space<vmem>>
    %dma_wait3A_135 = arith.constant 0 : i32
    %dma_wait3A_136 = tpu.memref_slice %arg8[%dma_wait3A_131, %dma_wait3A_135] : memref<4x128xi32, #tpu.memory_space<vmem>> -> memref<1x128xi32, #tpu.memory_space<vmem>>
    %dma_wait3A_137 = tpu.memref_squeeze %dma_wait3A_136 : memref<1x128xi32, #tpu.memory_space<vmem>> -> memref<128xi32, #tpu.memory_space<vmem>>
    %dma_wait3A_138 = arith.constant 0 : i32
    %dma_wait3A_139 = arith.constant 0 : i32
    %dma_wait3A_140 = tpu.memref_slice %arg4[%dma_wait3A_138, %dma_wait3A_139] : memref<1000000x80xf32, #tpu.memory_space<hbm>> -> memref<1000000x80xf32, #tpu.memory_space<hbm>>
    tpu.wait_indirect_dma semaphore(%arg11 : memref<!tpu.dma_semaphore, #tpu.memory_space<semaphore_mem>>) src(%dma_wait3A_140 : memref<1000000x80xf32, #tpu.memory_space<hbm>>) dst(%dma_wait3A_134 : memref<128x80xf32, #tpu.memory_space<vmem>>)
    %dma_wait3A_141 = arith.constant 3 : i32
    %dma_wait3A_142 = arith.constant 384 : i32
    %dma_wait3A_143 = arith.constant 0 : i32
    %dma_wait3A_144 = tpu.memref_slice %arg9[%dma_wait3A_142, %dma_wait3A_143] : memref<512x80xf32, #tpu.memory_space<vmem>> -> memref<128x80xf32, #tpu.memory_space<vmem>>
    %dma_wait3A_145 = arith.constant 0 : i32
    %dma_wait3A_146 = tpu.memref_slice %arg7[%dma_wait3A_141, %dma_wait3A_145] : memref<4x128xi32, #tpu.memory_space<vmem>> -> memref<1x128xi32, #tpu.memory_space<vmem>>
    %dma_wait3A_147 = tpu.memref_squeeze %dma_wait3A_146 : memref<1x128xi32, #tpu.memory_space<vmem>> -> memref<128xi32, #tpu.memory_space<vmem>>
    %dma_wait3A_148 = arith.constant 0 : i32
    %dma_wait3A_149 = arith.constant 0 : i32
    %dma_wait3A_150 = tpu.memref_slice %arg4[%dma_wait3A_148, %dma_wait3A_149] : memref<1000000x80xf32, #tpu.memory_space<hbm>> -> memref<1000000x80xf32, #tpu.memory_space<hbm>>
    tpu.wait_indirect_dma semaphore(%arg11 : memref<!tpu.dma_semaphore, #tpu.memory_space<semaphore_mem>>) src(%dma_wait3A_150 : memref<1000000x80xf32, #tpu.memory_space<hbm>>) dst(%dma_wait3A_144 : memref<128x80xf32, #tpu.memory_space<vmem>>)
    %dma_wait3A_151 = arith.constant 3 : i32
    %dma_wait3A_152 = arith.constant 384 : i32
    %dma_wait3A_153 = arith.constant 0 : i32
    %dma_wait3A_154 = tpu.memref_slice %arg10[%dma_wait3A_152, %dma_wait3A_153] : memref<512x80xf32, #tpu.memory_space<vmem>> -> memref<128x80xf32, #tpu.memory_space<vmem>>
    %dma_wait3A_155 = arith.constant 0 : i32
    %dma_wait3A_156 = tpu.memref_slice %arg8[%dma_wait3A_151, %dma_wait3A_155] : memref<4x128xi32, #tpu.memory_space<vmem>> -> memref<1x128xi32, #tpu.memory_space<vmem>>
    %dma_wait3A_157 = tpu.memref_squeeze %dma_wait3A_156 : memref<1x128xi32, #tpu.memory_space<vmem>> -> memref<128xi32, #tpu.memory_space<vmem>>
    %dma_wait3A_158 = arith.constant 0 : i32
    %dma_wait3A_159 = arith.constant 0 : i32
    %dma_wait3A_160 = tpu.memref_slice %arg4[%dma_wait3A_158, %dma_wait3A_159] : memref<1000000x80xf32, #tpu.memory_space<hbm>> -> memref<1000000x80xf32, #tpu.memory_space<hbm>>
    tpu.wait_indirect_dma semaphore(%arg11 : memref<!tpu.dma_semaphore, #tpu.memory_space<semaphore_mem>>) src(%dma_wait3A_160 : memref<1000000x80xf32, #tpu.memory_space<hbm>>) dst(%dma_wait3A_154 : memref<128x80xf32, #tpu.memory_space<vmem>>)
    "tpu.region"() ({
      %run_scoped3A = tpu.sem_alloc : memref<!tpu.dma_semaphore, #tpu.memory_space<semaphore_mem>>
      %dma_start3A_161 = arith.constant 0 : i32
      %dma_start3A_162 = tpu.memref_slice %arg5[%mul3A_2, %dma_start3A_161] : memref<16384x80xf32, #tpu.memory_space<hbm>> -> memref<512x80xf32, #tpu.memory_space<hbm>>
      %dma_start3A_163 = arith.constant 0 : i32
      %dma_start3A_164 = tpu.memref_slice %arg5[%mul3A_2, %dma_start3A_163] : memref<16384x80xf32, #tpu.memory_space<hbm>> -> memref<512x80xf32, #tpu.memory_space<hbm>>
      tpu.enqueue_dma source(%arg9 : memref<512x80xf32, #tpu.memory_space<vmem>>) target(%dma_start3A_164 : memref<512x80xf32, #tpu.memory_space<hbm>>) target_semaphore(%run_scoped3A : memref<!tpu.dma_semaphore, #tpu.memory_space<semaphore_mem>>)
      %dma_wait3A_165 = arith.constant 0 : i32
      %dma_wait3A_166 = tpu.memref_slice %arg5[%mul3A_2, %dma_wait3A_165] : memref<16384x80xf32, #tpu.memory_space<hbm>> -> memref<512x80xf32, #tpu.memory_space<hbm>>
      %dma_wait3A_167 = arith.constant 0 : i32
      %dma_wait3A_168 = tpu.memref_slice %arg5[%mul3A_2, %dma_wait3A_167] : memref<16384x80xf32, #tpu.memory_space<hbm>> -> memref<512x80xf32, #tpu.memory_space<hbm>>
      tpu.wait_dma2 semaphore(%run_scoped3A : memref<!tpu.dma_semaphore, #tpu.memory_space<semaphore_mem>>) src(%arg9 : memref<512x80xf32, #tpu.memory_space<vmem>>) dst(%dma_wait3A_168 : memref<512x80xf32, #tpu.memory_space<hbm>>)
      tpu.yield
    }) : () -> ()
    "tpu.region"() ({
      %run_scoped3A = tpu.sem_alloc : memref<!tpu.dma_semaphore, #tpu.memory_space<semaphore_mem>>
      %dma_start3A_161 = arith.constant 0 : i32
      %dma_start3A_162 = tpu.memref_slice %arg6[%mul3A_2, %dma_start3A_161] : memref<16384x80xf32, #tpu.memory_space<hbm>> -> memref<512x80xf32, #tpu.memory_space<hbm>>
      %dma_start3A_163 = arith.constant 0 : i32
      %dma_start3A_164 = tpu.memref_slice %arg6[%mul3A_2, %dma_start3A_163] : memref<16384x80xf32, #tpu.memory_space<hbm>> -> memref<512x80xf32, #tpu.memory_space<hbm>>
      tpu.enqueue_dma source(%arg10 : memref<512x80xf32, #tpu.memory_space<vmem>>) target(%dma_start3A_164 : memref<512x80xf32, #tpu.memory_space<hbm>>) target_semaphore(%run_scoped3A : memref<!tpu.dma_semaphore, #tpu.memory_space<semaphore_mem>>)
      %dma_wait3A_165 = arith.constant 0 : i32
      %dma_wait3A_166 = tpu.memref_slice %arg6[%mul3A_2, %dma_wait3A_165] : memref<16384x80xf32, #tpu.memory_space<hbm>> -> memref<512x80xf32, #tpu.memory_space<hbm>>
      %dma_wait3A_167 = arith.constant 0 : i32
      %dma_wait3A_168 = tpu.memref_slice %arg6[%mul3A_2, %dma_wait3A_167] : memref<16384x80xf32, #tpu.memory_space<hbm>> -> memref<512x80xf32, #tpu.memory_space<hbm>>
      tpu.wait_dma2 semaphore(%run_scoped3A : memref<!tpu.dma_semaphore, #tpu.memory_space<semaphore_mem>>) src(%arg10 : memref<512x80xf32, #tpu.memory_space<vmem>>) dst(%dma_wait3A_168 : memref<512x80xf32, #tpu.memory_space<hbm>>)
      tpu.yield
    }) : () -> ()
    return
  }
}

module attributes {stable_mosaic.version = 14 : i64} {
  func.func @neumf_pack(%arg0: i32, %arg1: memref<8x16384xf32, #tpu.memory_space<vmem>>, %arg2: memref<32x16384xf32, #tpu.memory_space<vmem>>, %arg3: memref<8x16384xf32, #tpu.memory_space<vmem>>, %arg4: memref<32x16384xf32, #tpu.memory_space<vmem>>, %arg5: memref<16384x80xf32, #tpu.memory_space<vmem>>) attributes {dimension_semantics = [#tpu.dimension_semantics<arbitrary>], iteration_bounds = array<i64: 62>, scalar_prefetch = 0 : i64, scratch_operands = 0 : i64, tpu.core_type = #tpu.core_type<tc>, window_params = [{transform_indices = @transform_0, window_bounds = array<i64: 8, 16384>}, {transform_indices = @transform_1, window_bounds = array<i64: 32, 16384>}, {transform_indices = @transform_2, window_bounds = array<i64: 8, 16384>}, {transform_indices = @transform_3, window_bounds = array<i64: 32, 16384>}, {transform_indices = @transform_4, window_bounds = array<i64: 16384, 80>}]} {
    %iota3A = tpu.iota {dimensions = array<i32: 0>} : vector<80x80xi32>
    %iota3A_0 = tpu.iota {dimensions = array<i32: 1>} : vector<80x80xi32>
    %add3A = arith.constant 0 : i32
    %add3A_1 = vector.broadcast %add3A : i32 to vector<80x80xi32>
    %add3A_2 = arith.addi %iota3A, %add3A_1 : vector<80x80xi32>
    %eq3A = arith.cmpi eq, %add3A_2, %iota3A_0 : vector<80x80xi32>
    %convert_element_type3A = arith.extui %eq3A : vector<80x80xi1> to vector<80x80xi32>
    %convert_element_type3A_3 = arith.sitofp %convert_element_type3A : vector<80x80xi32> to vector<80x80xf32>
    %get3A = arith.constant 0 : index
    %get3A_4 = arith.constant 0 : index
    %get3A_5 = vector.load %arg1[%get3A, %get3A_4] : memref<8x16384xf32, #tpu.memory_space<vmem>>, vector<8x16384xf32>
    %get3A_6 = arith.constant 0 : index
    %get3A_7 = arith.constant 0 : index
    %get3A_8 = vector.load %arg2[%get3A_6, %get3A_7] : memref<32x16384xf32, #tpu.memory_space<vmem>>, vector<32x16384xf32>
    %get3A_9 = arith.constant 0 : index
    %get3A_10 = arith.constant 0 : index
    %get3A_11 = vector.load %arg3[%get3A_9, %get3A_10] : memref<8x16384xf32, #tpu.memory_space<vmem>>, vector<8x16384xf32>
    %get3A_12 = arith.constant 0 : index
    %get3A_13 = arith.constant 0 : index
    %get3A_14 = vector.load %arg4[%get3A_12, %get3A_13] : memref<32x16384xf32, #tpu.memory_space<vmem>>, vector<32x16384xf32>
    %concatenate3A = tpu.concatenate %get3A_5, %get3A_8, %get3A_11, %get3A_14 in 0 : vector<8x16384xf32>, vector<32x16384xf32>, vector<8x16384xf32>, vector<32x16384xf32> -> vector<80x16384xf32>
    %dot_general3A = arith.constant dense<0.000000e+00> : vector<16384x80xf32>
    %dot_general3A_15 = tpu.matmul %concatenate3A, %convert_element_type3A_3, %dot_general3A {dimension_numbers = #tpu.dot_dimension_numbers<[0], [0], [1], [1], [0, 1, 1, 1], [], []>, transpose_lhs_hint = true} : vector<80x16384xf32>, vector<80x80xf32>, vector<16384x80xf32> -> vector<16384x80xf32>
    %swap3A = arith.constant 0 : index
    %swap3A_16 = arith.constant 0 : index
    %swap3A_17 = vector.load %arg5[%swap3A, %swap3A_16] : memref<16384x80xf32, #tpu.memory_space<vmem>>, vector<16384x80xf32>
    tpu.vector_store %arg5[%swap3A, %swap3A_16], %dot_general3A_15 {strides = array<i32>} : memref<16384x80xf32, #tpu.memory_space<vmem>>, vector<16384x80xf32>,
    return
  }
  func.func @transform_0(%arg0: i32) -> (i32, i32) {
    %c0_i32 = arith.constant 0 : i32
    %c0_i32_0 = arith.constant 0 : i32
    return %c0_i32, %arg0 : i32, i32
  }
  func.func @transform_1(%arg0: i32) -> (i32, i32) {
    %c0_i32 = arith.constant 0 : i32
    %c0_i32_0 = arith.constant 0 : i32
    return %c0_i32, %arg0 : i32, i32
  }
  func.func @transform_2(%arg0: i32) -> (i32, i32) {
    %c0_i32 = arith.constant 0 : i32
    %c0_i32_0 = arith.constant 0 : i32
    return %c0_i32, %arg0 : i32, i32
  }
  func.func @transform_3(%arg0: i32) -> (i32, i32) {
    %c0_i32 = arith.constant 0 : i32
    %c0_i32_0 = arith.constant 0 : i32
    return %c0_i32, %arg0 : i32, i32
  }
  func.func @transform_4(%arg0: i32) -> (i32, i32) {
    %c0_i32 = arith.constant 0 : i32
    %c0_i32_0 = arith.constant 0 : i32
    return %arg0, %c0_i32 : i32, i32
  }
}

module attributes {stable_mosaic.version = 14 : i64} {
  func.func @neumf_tc_mlp(%arg0: i32, %arg1: memref<2048x80xf32, #tpu.memory_space<vmem>>, %arg2: memref<2048x80xf32, #tpu.memory_space<vmem>>, %arg3: memref<32x64xf32, #tpu.memory_space<vmem>>, %arg4: memref<1x32xf32, #tpu.memory_space<vmem>>, %arg5: memref<16x32xf32, #tpu.memory_space<vmem>>, %arg6: memref<1x16xf32, #tpu.memory_space<vmem>>, %arg7: memref<8x16xf32, #tpu.memory_space<vmem>>, %arg8: memref<1x8xf32, #tpu.memory_space<vmem>>, %arg9: memref<1x16xf32, #tpu.memory_space<vmem>>, %arg10: memref<1x1xf32, #tpu.memory_space<vmem>>, %arg11: memref<2048x1xf32, #tpu.memory_space<vmem>>) attributes {dimension_semantics = [#tpu.dimension_semantics<arbitrary>], iteration_bounds = array<i64: 8>, scalar_prefetch = 0 : i64, scratch_operands = 0 : i64, tpu.core_type = #tpu.core_type<tc>, window_params = [{transform_indices = @transform_0, window_bounds = array<i64: 2048, 80>}, {transform_indices = @transform_1, window_bounds = array<i64: 2048, 80>}, {pipeline_mode = #tpu.pipeline_mode<synchronous>, transform_indices = @transform_2, window_bounds = array<i64: 32, 64>}, {pipeline_mode = #tpu.pipeline_mode<synchronous>, transform_indices = @transform_3, window_bounds = array<i64: 1, 32>}, {pipeline_mode = #tpu.pipeline_mode<synchronous>, transform_indices = @transform_4, window_bounds = array<i64: 16, 32>}, {pipeline_mode = #tpu.pipeline_mode<synchronous>, transform_indices = @transform_5, window_bounds = array<i64: 1, 16>}, {pipeline_mode = #tpu.pipeline_mode<synchronous>, transform_indices = @transform_6, window_bounds = array<i64: 8, 16>}, {pipeline_mode = #tpu.pipeline_mode<synchronous>, transform_indices = @transform_7, window_bounds = array<i64: 1, 8>}, {pipeline_mode = #tpu.pipeline_mode<synchronous>, transform_indices = @transform_8, window_bounds = array<i64: 1, 16>}, {pipeline_mode = #tpu.pipeline_mode<synchronous>, transform_indices = @transform_9, window_bounds = array<i64: 1, 1>}, {transform_indices = @transform_10, window_bounds = array<i64: 2048, 1>}]} {
    %get3A = arith.constant 0 : index
    %get3A_0 = arith.constant 0 : index
    %get3A_1 = vector.load %arg1[%get3A, %get3A_0] : memref<2048x80xf32, #tpu.memory_space<vmem>>, vector<2048x80xf32>
    %get3A_2 = arith.constant 0 : index
    %get3A_3 = arith.constant 0 : index
    %get3A_4 = vector.load %arg2[%get3A_2, %get3A_3] : memref<2048x80xf32, #tpu.memory_space<vmem>>, vector<2048x80xf32>
    %get3A_5 = arith.constant 0 : index
    %get3A_6 = arith.constant 0 : index
    %get3A_7 = vector.load %arg3[%get3A_5, %get3A_6] : memref<32x64xf32, #tpu.memory_space<vmem>>, vector<32x64xf32>
    %slice3A = vector.extract_strided_slice %get3A_1 {offsets = [0, 8], sizes = [2048, 32], strides = [1, 1]} : vector<2048x80xf32> to vector<2048x32xf32>
    %slice3A_8 = vector.extract_strided_slice %get3A_7 {offsets = [0, 0], sizes = [32, 32], strides = [1, 1]} : vector<32x64xf32> to vector<32x32xf32>
    %dot_general3A = arith.constant dense<0.000000e+00> : vector<2048x32xf32>
    %dot_general3A_9 = tpu.matmul %slice3A, %slice3A_8, %dot_general3A {dimension_numbers = #tpu.dot_dimension_numbers<[1], [1], [0], [0], [0, 0, 1, 0], [], []>, transpose_lhs_hint = false} : vector<2048x32xf32>, vector<32x32xf32>, vector<2048x32xf32> -> vector<2048x32xf32>
    %slice3A_10 = vector.extract_strided_slice %get3A_4 {offsets = [0, 48], sizes = [2048, 32], strides = [1, 1]} : vector<2048x80xf32> to vector<2048x32xf32>
    %slice3A_11 = vector.extract_strided_slice %get3A_7 {offsets = [0, 32], sizes = [32, 32], strides = [1, 1]} : vector<32x64xf32> to vector<32x32xf32>
    %dot_general3A_12 = arith.constant dense<0.000000e+00> : vector<2048x32xf32>
    %dot_general3A_13 = tpu.matmul %slice3A_10, %slice3A_11, %dot_general3A_12 {dimension_numbers = #tpu.dot_dimension_numbers<[1], [1], [0], [0], [0, 0, 1, 0], [], []>, transpose_lhs_hint = false} : vector<2048x32xf32>, vector<32x32xf32>, vector<2048x32xf32> -> vector<2048x32xf32>
    %add3A = arith.addf %dot_general3A_9, %dot_general3A_13 : vector<2048x32xf32>
    %get3A_14 = arith.constant 0 : index
    %get3A_15 = arith.constant 0 : index
    %get3A_16 = vector.load %arg4[%get3A_14, %get3A_15] : memref<1x32xf32, #tpu.memory_space<vmem>>, vector<1x32xf32>
    %add3A_17 = vector.broadcast %get3A_16 : vector<1x32xf32> to vector<2048x32xf32>
    %add3A_18 = arith.addf %add3A, %add3A_17 : vector<2048x32xf32>
    %max3A = arith.constant 0.000000e+00 : f32
    %max3A_19 = vector.broadcast %max3A : f32 to vector<2048x32xf32>
    %max3A_20 = arith.maximumf %add3A_18, %max3A_19 : vector<2048x32xf32>
    %get3A_21 = arith.constant 0 : index
    %get3A_22 = arith.constant 0 : index
    %get3A_23 = vector.load %arg5[%get3A_21, %get3A_22] : memref<16x32xf32, #tpu.memory_space<vmem>>, vector<16x32xf32>
    %dot_general3A_24 = arith.constant dense<0.000000e+00> : vector<2048x16xf32>
    %dot_general3A_25 = tpu.matmul %max3A_20, %get3A_23, %dot_general3A_24 {dimension_numbers = #tpu.dot_dimension_numbers<[1], [1], [0], [0], [0, 0, 1, 0], [], []>, transpose_lhs_hint = false} : vector<2048x32xf32>, vector<16x32xf32>, vector<2048x16xf32> -> vector<2048x16xf32>
    %get3A_26 = arith.constant 0 : index
    %get3A_27 = arith.constant 0 : index
    %get3A_28 = vector.load %arg6[%get3A_26, %get3A_27] : memref<1x16xf32, #tpu.memory_space<vmem>>, vector<1x16xf32>
    %add3A_29 = vector.broadcast %get3A_28 : vector<1x16xf32> to vector<2048x16xf32>
    %add3A_30 = arith.addf %dot_general3A_25, %add3A_29 : vector<2048x16xf32>
    %max3A_31 = arith.constant 0.000000e+00 : f32
    %max3A_32 = vector.broadcast %max3A_31 : f32 to vector<2048x16xf32>
    %max3A_33 = arith.maximumf %add3A_30, %max3A_32 : vector<2048x16xf32>
    %get3A_34 = arith.constant 0 : index
    %get3A_35 = arith.constant 0 : index
    %get3A_36 = vector.load %arg7[%get3A_34, %get3A_35] : memref<8x16xf32, #tpu.memory_space<vmem>>, vector<8x16xf32>
    %dot_general3A_37 = arith.constant dense<0.000000e+00> : vector<2048x8xf32>
    %dot_general3A_38 = tpu.matmul %max3A_33, %get3A_36, %dot_general3A_37 {dimension_numbers = #tpu.dot_dimension_numbers<[1], [1], [0], [0], [0, 0, 1, 0], [], []>, transpose_lhs_hint = false} : vector<2048x16xf32>, vector<8x16xf32>, vector<2048x8xf32> -> vector<2048x8xf32>
    %get3A_39 = arith.constant 0 : index
    %get3A_40 = arith.constant 0 : index
    %get3A_41 = vector.load %arg8[%get3A_39, %get3A_40] : memref<1x8xf32, #tpu.memory_space<vmem>>, vector<1x8xf32>
    %add3A_42 = vector.broadcast %get3A_41 : vector<1x8xf32> to vector<2048x8xf32>
    %add3A_43 = arith.addf %dot_general3A_38, %add3A_42 : vector<2048x8xf32>
    %max3A_44 = arith.constant 0.000000e+00 : f32
    %max3A_45 = vector.broadcast %max3A_44 : f32 to vector<2048x8xf32>
    %max3A_46 = arith.maximumf %add3A_43, %max3A_45 : vector<2048x8xf32>
    %slice3A_47 = vector.extract_strided_slice %get3A_1 {offsets = [0, 0], sizes = [2048, 8], strides = [1, 1]} : vector<2048x80xf32> to vector<2048x8xf32>
    %slice3A_48 = vector.extract_strided_slice %get3A_4 {offsets = [0, 40], sizes = [2048, 8], strides = [1, 1]} : vector<2048x80xf32> to vector<2048x8xf32>
    %mul3A = arith.mulf %slice3A_47, %slice3A_48 : vector<2048x8xf32>
    %get3A_49 = arith.constant 0 : index
    %get3A_50 = arith.constant 0 : index
    %get3A_51 = vector.load %arg9[%get3A_49, %get3A_50] : memref<1x16xf32, #tpu.memory_space<vmem>>, vector<1x16xf32>
    %slice3A_52 = vector.extract_strided_slice %get3A_51 {offsets = [0, 0], sizes = [1, 8], strides = [1, 1]} : vector<1x16xf32> to vector<1x8xf32>
    %dot_general3A_53 = arith.constant dense<0.000000e+00> : vector<2048x1xf32>
    %dot_general3A_54 = tpu.matmul %mul3A, %slice3A_52, %dot_general3A_53 {dimension_numbers = #tpu.dot_dimension_numbers<[1], [1], [0], [0], [0, 0, 1, 0], [], []>, transpose_lhs_hint = false} : vector<2048x8xf32>, vector<1x8xf32>, vector<2048x1xf32> -> vector<2048x1xf32>
    %slice3A_55 = vector.extract_strided_slice %get3A_51 {offsets = [0, 8], sizes = [1, 8], strides = [1, 1]} : vector<1x16xf32> to vector<1x8xf32>
    %dot_general3A_56 = arith.constant dense<0.000000e+00> : vector<2048x1xf32>
    %dot_general3A_57 = tpu.matmul %max3A_46, %slice3A_55, %dot_general3A_56 {dimension_numbers = #tpu.dot_dimension_numbers<[1], [1], [0], [0], [0, 0, 1, 0], [], []>, transpose_lhs_hint = false} : vector<2048x8xf32>, vector<1x8xf32>, vector<2048x1xf32> -> vector<2048x1xf32>
    %add3A_58 = arith.addf %dot_general3A_54, %dot_general3A_57 : vector<2048x1xf32>
    %get3A_59 = arith.constant 0 : index
    %get3A_60 = arith.constant 0 : index
    %get3A_61 = vector.load %arg10[%get3A_59, %get3A_60] : memref<1x1xf32, #tpu.memory_space<vmem>>, vector<1x1xf32>
    %add3A_62 = vector.broadcast %get3A_61 : vector<1x1xf32> to vector<2048x1xf32>
    %add3A_63 = arith.addf %add3A_58, %add3A_62 : vector<2048x1xf32>
    %swap3A = arith.constant 0 : index
    %swap3A_64 = arith.constant 0 : index
    %swap3A_65 = vector.load %arg11[%swap3A, %swap3A_64] : memref<2048x1xf32, #tpu.memory_space<vmem>>, vector<2048x1xf32>
    tpu.vector_store %arg11[%swap3A, %swap3A_64], %add3A_63 {strides = array<i32>} : memref<2048x1xf32, #tpu.memory_space<vmem>>, vector<2048x1xf32>,
    return
  }
  func.func @transform_0(%arg0: i32) -> (i32, i32) {
    %c0_i32 = arith.constant 0 : i32
    %c0_i32_0 = arith.constant 0 : i32
    return %arg0, %c0_i32 : i32, i32
  }
  func.func @transform_1(%arg0: i32) -> (i32, i32) {
    %c0_i32 = arith.constant 0 : i32
    %c0_i32_0 = arith.constant 0 : i32
    return %arg0, %c0_i32 : i32, i32
  }
  func.func @transform_2(%arg0: i32) -> (i32, i32) {
    %c0_i32 = arith.constant 0 : i32
    %c0_i32_0 = arith.constant 0 : i32
    %c0_i32_1 = arith.constant 0 : i32
    return %c0_i32, %c0_i32_0 : i32, i32
  }
  func.func @transform_3(%arg0: i32) -> (i32, i32) {
    %c0_i32 = arith.constant 0 : i32
    %c0_i32_0 = arith.constant 0 : i32
    %c0_i32_1 = arith.constant 0 : i32
    return %c0_i32, %c0_i32_0 : i32, i32
  }
  func.func @transform_4(%arg0: i32) -> (i32, i32) {
    %c0_i32 = arith.constant 0 : i32
    %c0_i32_0 = arith.constant 0 : i32
    %c0_i32_1 = arith.constant 0 : i32
    return %c0_i32, %c0_i32_0 : i32, i32
  }
  func.func @transform_5(%arg0: i32) -> (i32, i32) {
    %c0_i32 = arith.constant 0 : i32
    %c0_i32_0 = arith.constant 0 : i32
    %c0_i32_1 = arith.constant 0 : i32
    return %c0_i32, %c0_i32_0 : i32, i32
  }
  func.func @transform_6(%arg0: i32) -> (i32, i32) {
    %c0_i32 = arith.constant 0 : i32
    %c0_i32_0 = arith.constant 0 : i32
    %c0_i32_1 = arith.constant 0 : i32
    return %c0_i32, %c0_i32_0 : i32, i32
  }
  func.func @transform_7(%arg0: i32) -> (i32, i32) {
    %c0_i32 = arith.constant 0 : i32
    %c0_i32_0 = arith.constant 0 : i32
    %c0_i32_1 = arith.constant 0 : i32
    return %c0_i32, %c0_i32_0 : i32, i32
  }
  func.func @transform_8(%arg0: i32) -> (i32, i32) {
    %c0_i32 = arith.constant 0 : i32
    %c0_i32_0 = arith.constant 0 : i32
    %c0_i32_1 = arith.constant 0 : i32
    return %c0_i32, %c0_i32_0 : i32, i32
  }
  func.func @transform_9(%arg0: i32) -> (i32, i32) {
    %c0_i32 = arith.constant 0 : i32
    %c0_i32_0 = arith.constant 0 : i32
    %c0_i32_1 = arith.constant 0 : i32
    return %c0_i32, %c0_i32_0 : i32, i32
  }
  func.func @transform_10(%arg0: i32) -> (i32, i32) {
    %c0_i32 = arith.constant 0 : i32
    %c0_i32_0 = arith.constant 0 : i32
    return %arg0, %c0_i32 : i32, i32
  }
}

</mosaic_0001>

<sc_bundles>
// kernel: neumf_sc_gather.3.cloned.1.call-start
scs
__scs_entry_jumppad:
0x0: {  	(pc) =	sbr.rel $0x88, $3  }
0x1: {  	(tag) =	ssettag $0x0;
	lr =	simm.s32 $0x1  }
0x2: {  	[smem:$0x3F93] =	sst lr;
	_ =	strace $0xD0000000  }
0x3: {  	_ = 	snop  }
0x4: {  	_ = 	snop  }
0x5: {  	_ = 	snop  }
0x6: {  	_ = 	snop  }
0x7: {  	_ = 	snop  }
__scs_overlays_trampoline_lowered:
0x8: {  	[smem:$0x3FA2] =	sst s0  }
0x9: {  	[smem:$0x3FA3] =	sst s1  }
0xa: {  	[smem:$0x3FA4] =	sst s2  }
0xb: {  	[smem:$0x3FA5] =	sst s3  }
0xc: {  	[smem:$0x3FA6] =	sst s4  }
0xd: {  	[smem:$0x3FA7] =	sst s5  }
0xe: {  	[smem:$0x3FA8] =	sst s6  }
0xf: {  	[smem:$0x3FA9] =	sst s7  }
0x10: {  	[smem:$0x3FAA] =	sst s8  }
0x11: {  	[smem:$0x3FAB] =	sst s9;
	s0 =	simm.s32 @!p0 $0x0  }
0x12: {  	s1 =	sld [smem:$0x3F91];
	s0 =	simm.s32 @p0 $0x1  }
0x13: {  	[smem:$0x3FAC] =	sst s0;
	s0 =	simm.s32 @!p1 $0x0  }
0x14: {  	s2 =	sld [smem:$0x3F90];
	s0 =	simm.s32 @p1 $0x1  }
0x15: {  	[smem:$0x3FAD] =	sst s0;
	s0 =	simm.s32 @!p2 $0x0  }
0x16: {  	s3 =	sld [smem:$0x3FDB];
	s0 =	simm.s32 @p2 $0x1  }
0x17: {  	s4 =	simm.s32 $0x1BF5;
	[smem:$0x3FAF] =	sst s0  }
0x18: {  	s0 =	sld [smem:$0x3F92];
	_ =	swait.ge [sflag:s4], $0x0  }
0x19: {  	s7 =	sld [smem:$0x3F93]  }
0x1a: {  	s8 =	sadd.s32 $0xFFFFE003, lr  }
0x1b: {  	s9 =	sadd.s32 $0xFFFFFEF7, lr;
	s5 =	simm.s32 $0xFFFFFFFF;
	p2 =	slt.u32 s8, $0xFFFFF086  }
0x1c: {  	p1 =	slt.u32 s9, $0xF7A;
	s5 =	simm.s32 @!p2 $0x0  }
0x1d: {  	s5 =	simm.s32 @p1 $0x1;
	p0 =	seq.s32 s7, s2  }
0x1e: {  	s7 =	smul.u32 @!p0 $0xF7A, s2;
	p2 =	seq.s32 @!p0 s5, $0x0  }
0x1f: {  	s9 =	smul.u32 $0xF7A, s1;
	s8 =	simm.s32 @!p0 $0x1BF5;
	p2 =	por !p2, p0  }
0x20: {  	[sflag:s8] =	ssyncset.s32 @!p0 $0xFFFFF086;
	s6 =	sadd.s32 @!p0 s3, s7;
	s7 =	simm.s32 @!p0 $0x108  }
0x21: {  	s3 =	sadd.s32 s3, s9;
	s6 =	sadd.s32 @!p0 $0x88, s6;
	s7 =	simm.s32 @p2 $0x1082  }
0x22: {  	[simem:s7], [sflag:s8] =	dma.local @!p0 [hbm:s6], $0xF7A  }
0x23: {  	s9 =	sor.u32 $0xD0000000, s2;
	s6 =	simm.s32 $0x108;
	_ =	swait.ge @!p0 [sflag:s8], $0x0  }
0x24: {  	s3 =	sadd.s32 $0x88, s3;
	s6 =	simm.s32 @!p1 $0x1082;
	[sflag:s4] =	ssyncset.s32 $0xFFFFF086  }
0x25: {  	[simem:s6], [sflag:s4] =	dma.local [hbm:s3], $0xF7A  }
0x26: {  	[smem:$0x3F93] =	sst s1;
	(tag) =	ssettag s2;
	_ =	strace s9  }
0x27: {  	s1 =	sld [smem:$0x3FA3]  }
0x28: {  	s2 =	sld [smem:$0x3FA4]  }
0x29: {  	s4 =	sld [smem:$0x3FA6]  }
0x2a: {  	p0 =	seq.s32 s5, $0x0;
	s5 =	sld [smem:$0x3FA7]  }
0x2b: {  	s6 =	sld [smem:$0x3FA8]  }
0x2c: {  	s7 =	sld [smem:$0x3FA9]  }
0x2d: {  	s3 =	simm.s32 $0x108;
	s8 =	sld [smem:$0x3FAA]  }
0x2e: {  	s3 =	simm.s32 @!p0 $0x1082;
	s9 =	sld [smem:$0x3FAB]  }
0x2f: {  	lr =	sadd.s32 s0, s3;
	s0 =	sld [smem:$0x3FA2]  }
0x30: {  	s3 =	sld [smem:$0x3FA5]  }
0x31: {  	[smem:$0x3FAE] =	sst s10  }
0x32: {  	s10 =	sld [smem:$0x3FAC];
	_ =	sdelay $0x3  }
0x33: {  	p0 =	seq.s32 s10, $0x1;
	s10 =	sld [smem:$0x3FAE];
	_ =	sdelay $0x3  }
0x34: {  	[smem:$0x3FAE] =	sst s10  }
0x35: {  	s10 =	sld [smem:$0x3FAD];
	_ =	sdelay $0x3  }
0x36: {  	p1 =	seq.s32 s10, $0x1;
	s10 =	sld [smem:$0x3FAE];
	_ =	sdelay $0x3  }
0x37: {  	[smem:$0x3FAE] =	sst s10  }
0x38: {  	s10 =	sld [smem:$0x3FAF]  }
0x39: {  	_ = 	snop;
	(pc) =	sbr.ind lr, $3  }
0x3a: {  	_ = 	snop  }
0x3b: {  	_ = 	snop  }
0x3c: {  	p2 =	seq.s32 s10, $0x1;
	s10 =	sld [smem:$0x3FAE]  }
0x3d: {  	_ =	shalt  }
0x3e: {  	_ =	shalt  }
0x3f: {  	_ =	shalt  }
0x40: {  	_ =	shalt  }
0x41: {  	_ =	shalt  }
0x42: {  	_ =	shalt  }
0x43: {  	_ =	shalt  }
0x44: {  	_ =	shalt  }
0x45: {  	_ =	shalt  }
0x46: {  	_ =	shalt  }
0x47: {  	_ =	shalt  }
0x48: {  	_ =	shalt  }
0x49: {  	_ =	shalt  }
0x4a: {  	_ =	shalt  }
0x4b: {  	_ =	shalt  }
0x4c: {  	_ =	shalt  }
0x4d: {  	_ =	shalt  }
0x4e: {  	_ =	shalt  }
0x4f: {  	_ =	shalt  }
0x50: {  	_ =	shalt  }
0x51: {  	_ =	shalt  }
0x52: {  	_ =	shalt  }
0x53: {  	_ =	shalt  }
0x54: {  	_ =	shalt  }
0x55: {  	_ =	shalt  }
0x56: {  	_ =	shalt  }
0x57: {  	_ =	shalt  }
0x58: {  	_ =	shalt  }
0x59: {  	_ =	shalt  }
0x5a: {  	_ =	shalt  }
0x5b: {  	_ =	shalt  }
0x5c: {  	_ =	shalt  }
0x5d: {  	_ =	shalt  }
0x5e: {  	_ =	shalt  }
0x5f: {  	_ =	shalt  }
0x60: {  	_ =	shalt  }
0x61: {  	_ =	shalt  }
0x62: {  	_ =	shalt  }
0x63: {  	_ =	shalt  }
0x64: {  	_ =	shalt  }
0x65: {  	_ =	shalt  }
0x66: {  	_ =	shalt  }
0x67: {  	_ =	shalt  }
0x68: {  	_ =	shalt  }
0x69: {  	_ =	shalt  }
0x6a: {  	_ =	shalt  }
0x6b: {  	_ =	shalt  }
0x6c: {  	_ =	shalt  }
0x6d: {  	_ =	shalt  }
0x6e: {  	_ =	shalt  }
0x6f: {  	_ =	shalt  }
0x70: {  	_ =	shalt  }
0x71: {  	_ =	shalt  }
0x72: {  	_ =	shalt  }
0x73: {  	_ =	shalt  }
0x74: {  	_ =	shalt  }
0x75: {  	_ =	shalt  }
0x76: {  	_ =	shalt  }
0x77: {  	_ =	shalt  }
0x78: {  	_ =	shalt  }
0x79: {  	_ =	shalt  }
0x7a: {  	_ =	shalt  }
0x7b: {  	_ =	shalt  }
0x7c: {  	_ =	shalt  }
0x7d: {  	_ =	shalt  }
0x7e: {  	_ =	shalt  }
0x7f: {  	_ =	shalt  }
0x80: {  	_ =	shalt  }
0x81: {  	_ =	shalt  }
0x82: {  	_ =	shalt  }
0x83: {  	_ =	shalt  }
0x84: {  	_ =	shalt  }
0x85: {  	_ =	shalt  }
0x86: {  	_ =	shalt  }
0x87: {  	_ =	shalt  }
.Lfunc_end0:
.L_simem_size_0:
called_computation_lowered:
.L_overlay_start_0:
0x88: {  	s2 =	sld [smem:$0x3FD9]  }
0x89: {  	s3 =	sld [smem:$0x3FFE];
	_ =	sdelay $0x1  }
0x8a: {  	s1 =	srdreg.scid  }
0x8b: {  	s0 =	sand.u32 $0x1, s1  }
0x8c: {  	s17 =	sshll.u32 s0, $0xA;
	s2 =	sadd.s32 s3, s2  }
0x8d: {  	s2 =	sadd.s32 s2, s17  }
0x8e: {  	[smem:$0x3FBA] =	sst s2  }
0x8f: {  	_ = 	snop  }
0x90: {  	s2 =	sld [smem:$0x3FC9]  }
0x91: {  	s18 =	sld [smem:$0x3FC8];
	(tm) =	ssettm $0x1  }
0x92: {  	s4 =	sld [smem:$0x3FFB];
	_ =	sdelay $0x3  }
0x93: {  	_ =	strace s4  }
0x94: {  	s4 =	sld [smem:$0x3FFC];
	_ =	sdelay $0x3  }
0x95: {  	_ =	strace s4  }
0x96: {  	s4 =	sld [smem:$0x3FFD];
	_ =	sdelay $0x3  }
0x97: {  	_ =	strace s4  }
0x98: {  	_ =	strace $0x8FFFFFFF  }
0x99: {  	s19 =	sld [smem:$0x3FDB];
	_ =	sdelay $0x1  }
0x9a: {  	s5 =	simm.s32 $_scs_section_size  }
0x9b: {  	s6 =	simm.s32 $_size__tile_overlayer_lowered;
	s7 =	simm.s32 $_tile_overlayer_lowered  }
0x9c: {  	s22 =	simm.s32 $0x1BFF;
	s21 =	sshll.u32 s7, $0x1;
	s4 =	sadd.s32 s5, s19  }
0x9d: {  	s8 =	simm.s32 $0x0;
	s20 =	sshll.u32 s6, $0x1;
	s6 =	sadd.s32 s21, s4  }
0x9e: {  	[timem:s8], [sflag:s22] =	dma.local [hbm:s6], s20  }
0x9f: {  	_ =	swait.ge [sflag:s22], s20  }
0xa0: {  	s5 =	ssub.s32 $0x0, s20;
	[sflag:s22] =	ssyncset.done $0x0  }
0xa1: {  	[sflag:s22] =	ssyncadd.s32 s5;
	_ =	sdelay $0x1  }
0xa2: {  	s23 =	simm.s32 $0x1B8B  }
0xa3: {  	_ =	swait.ge [sflag:s23], $0x1  }
0xa4: {  	[sflag:s23] =	ssyncset.done $0x0  }
0xa5: {  	s25 =	simm.s32 $0x1B8E;
	s24 =	sld [smem:$0x3FFE];
	[sflag:s23] =	ssyncadd.s32 $0xFFFFFFFF  }
0xa6: {  	s26 =	simm.s32 $execute0_lowered;
	[smem:$0x3FD2] =	sst s25  }
0xa7: {  	s6 =	sshll.u32 s26, $0x1;
	_ =	strace $0x80000046;
	[dreg:$0x1] =	wrdreg $0xFFFFFFFF  }
0xa8: {  	s28 =	simm.s32 $_size_execute0_lowered;
	s4 =	sadd.s32 s4, s6;
	[dreg:$0x0] =	wrdreg $0x0  }
0xa9: {  	s6 =	sshll.u32 s28, $0x1;
	[dreg:$0x2] =	wrdreg s4  }
0xaa: {  	[dreg:$0x3] =	wrdreg s6  }
0xab: {  	[dreg:$0x4] =	wrdreg $0xC0  }
0xac: {  	_ =	task [dreg:s8], $0x5FFFF  }
0xad: {  	[dreg:$0x1] =	wrdreg $0xFFFFFFFF  }
0xae: {  	[dreg:$0x0] =	wrdreg $0x60  }
0xaf: {  	[dreg:$0x2] =	wrdreg s2  }
0xb0: {  	[dreg:$0x3] =	wrdreg s18  }
0xb1: {  	[dreg:$0x4] =	wrdreg s24  }
0xb2: {  	[dreg:$0x5] =	wrdreg $0x9  }
0xb3: {  	_ =	task.clear_ibuf [dreg:s8], $0x6FFFF;
	_ =	strace $0x90000046  }
0xb4: {  	s29 =	simm.s32 $0x9;
	_ =	strace $0x80000048  }
0xb5: {  	_ =	swait.ge [sflag:s29], $0x1  }
0xb6: {  	[sflag:s29] =	ssyncadd.s32 $0xFFFFFFFF  }
0xb7: {  	_ =	strace $0x90000048  }
0xb8: {  	_ =	sfence  }
0xb9: {  	s30 =	sld [smem:$0x0];
	_ =	sdelay $0x2  }
0xba: {  	s31 =	sshll.u32 s1, $0xD;
	s1 =	sshrl.u32 s1, $0x2  }
0xbb: {  	s3 =	sand.u32 $0x4000, s31;
	s1 =	sadd.s32 s1, s30  }
0xbc: {  	s0 =	sor.u32 s3, s0;
	s1 =	sshll.u32 s1, $0x11  }
0xbd: {  	s0 =	sor.u32 s1, s0  }
0xbe: {  	s0 =	sadd.s32 $0x8F2B, s0  }
0xbf: {  	[sflag:s0] =	ssyncadd.remote.s32 $0x1  }
0xc0: {  	_ =	sfence.sel $0xFFFF  }
0xc1: {  	[dreg:$0x0] =	wrdreg $0xFFFFFFFF;
	(pc) =	sbr.abs _section_cstart, $3  }
0xc2: {  	[dreg:$0x1] =	wrdreg $0xFFFFFFFF  }
0xc3: {  	_ =	task.clear_ibuf [dreg:s8], $0x2FFFF;
	_ =	strace $0x9FFFFFFF  }
0xc4: {  	(tm) =	ssettm $0x7FFFFFFF  }
0xc5: {  	_ =	shalt  }
tec
execute0_lowered:
.L_overlay_start_1:
0x0: {  	(tag) =	ssettag $0x1  }
0x1: {  	s3 =	rddreg [dreg:$0x0];
	s1 =	srdreg.scid  }
0x2: {  	s5 =	rddreg [dreg:$0x1];
	s0 =	stileid.u32;
	s23 =	sand.u32 $0x1, s1  }
0x3: {  	s24 =	rddreg [dreg:$0x2];
	s4 =	sshll.u32 s0, $0xA;
	s6 =	sshll.u32 s23, $0x9  }
0x4: {  	s2 =	simm.s32 $0x0;
	s1 =	rddreg [dreg:$0x3];
	s25 =	sor.u32 s6, s4  }
0x5: {  	[smem:$0x7FF] =	sst s2;
	s6 =	sshrl.u32 s25, $0x3  }
0x6: {  	_ =	strace $0x80000047;
	s4 =	sadd.s32 s3, s6;
	s3 =	simm.s32 $0x2  }
0x7: {  	[tilespmem:s2], [sflag:$0x2] =	stream.linear.gather [hbm4b:s4+s2], $0x200, $0x38;
	[tilespmem:$0x14400] =	vst v63  }
0x8: {  	_ =	swait.ge [sflag:s3], $0x200  }
0x9: {  	[sflag:s3] =	ssyncset.done $0x0  }
0xa: {  	s5 =	sadd.s32 s5, s6;
	s6 =	simm.s32 $0x200;
	[sflag:s3] =	ssyncadd.s32 $0xFFFFFE00  }
0xb: {  	[tilespmem:s6], [sflag:$0x2] =	stream.linear.gather [hbm4b:s5+s2], $0x200, $0x38;
	[tilespmem:$0x14400] =	vst v63  }
0xc: {  	_ =	swait.ge [sflag:s3], $0x200  }
0xd: {  	s8 =	simm.s32 $0x80;
	[sflag:s3] =	ssyncset.done $0x0  }
0xe: {  	s9 =	simm.s32 $0x400;
	s7 =	sadd.s32 $0xF43600, s24;
	[sflag:s3] =	ssyncadd.s32 $0xFFFFFE00  }
0xf: {  	[tilespmem:s9], [sflag:$0x1] =	stream.indirect.gather [hbm4b:s7+s8], $0x50, s2, s8, $0xb8;
	[tilespmem:$0x14400] =	vst v63  }
0x10: {  	s10 =	simm.s32 $0xA400  }
0x11: {  	[tilespmem:s10], [sflag:$0x1] =	stream.indirect.gather [hbm4b:s7+s8], $0x50, s6, s8, $0xb8;
	[tilespmem:$0x14400] =	vst v63  }
0x12: {  	s11 =	simm.s32 $0x2C00  }
0x13: {  	[tilespmem:s11], [sflag:$0x1] =	stream.indirect.gather [hbm4b:s7+s8], $0x50, s8, s8, $0xb8;
	[tilespmem:$0x14400] =	vst v63  }
0x14: {  	s12 =	simm.s32 $0x280;
	s13 =	simm.s32 $0xCC00  }
0x15: {  	[tilespmem:s13], [sflag:$0x1] =	stream.indirect.gather [hbm4b:s7+s8], $0x50, s12, s8, $0xb8;
	[tilespmem:$0x14400] =	vst v63  }
0x16: {  	s14 =	simm.s32 $0x100;
	s15 =	simm.s32 $0x5400  }
0x17: {  	[tilespmem:s15], [sflag:$0x1] =	stream.indirect.gather [hbm4b:s7+s8], $0x50, s14, s8, $0xb8;
	[tilespmem:$0x14400] =	vst v63  }
0x18: {  	s16 =	simm.s32 $0x300;
	s17 =	simm.s32 $0xF400  }
0x19: {  	[tilespmem:s17], [sflag:$0x1] =	stream.indirect.gather [hbm4b:s7+s8], $0x50, s16, s8, $0xb8;
	[tilespmem:$0x14400] =	vst v63  }
0x1a: {  	s18 =	simm.s32 $0x180;
	s19 =	simm.s32 $0x7C00  }
0x1b: {  	[tilespmem:s19], [sflag:$0x1] =	stream.indirect.gather [hbm4b:s7+s8], $0x50, s18, s8, $0xb8;
	[tilespmem:$0x14400] =	vst v63  }
0x1c: {  	s20 =	simm.s32 $0x380;
	s21 =	simm.s32 $0x11C00;
	s22 =	simm.s32 $0x1  }
0x1d: {  	[tilespmem:s21], [sflag:$0x1] =	stream.indirect.gather [hbm4b:s7+s8], $0x50, s20, s8, $0xb8;
	[tilespmem:$0x14400] =	vst v63  }
0x1e: {  	_ =	swait.ge [sflag:s22], $0x2800  }
0x1f: {  	[sflag:s22] =	ssyncset.done $0x0  }
0x20: {  	[sflag:s22] =	ssyncadd.s32 $0xFFFFD800  }
0x21: {  	_ =	swait.ge [sflag:s22], $0x2800  }
0x22: {  	[sflag:s22] =	ssyncset.done $0x0  }
0x23: {  	[sflag:s22] =	ssyncadd.s32 $0xFFFFD800  }
0x24: {  	_ =	swait.ge [sflag:s22], $0x2800  }
0x25: {  	[sflag:s22] =	ssyncset.done $0x0  }
0x26: {  	[sflag:s22] =	ssyncadd.s32 $0xFFFFD800  }
0x27: {  	_ =	swait.ge [sflag:s22], $0x2800  }
0x28: {  	[sflag:s22] =	ssyncset.done $0x0  }
0x29: {  	[sflag:s22] =	ssyncadd.s32 $0xFFFFD800  }
0x2a: {  	_ =	swait.ge [sflag:s22], $0x2800  }
0x2b: {  	[sflag:s22] =	ssyncset.done $0x0  }
0x2c: {  	[sflag:s22] =	ssyncadd.s32 $0xFFFFD800  }
0x2d: {  	_ =	swait.ge [sflag:s22], $0x2800  }
0x2e: {  	[sflag:s22] =	ssyncset.done $0x0  }
0x2f: {  	[sflag:s22] =	ssyncadd.s32 $0xFFFFD800  }
0x30: {  	_ =	swait.ge [sflag:s22], $0x2800  }
0x31: {  	[sflag:s22] =	ssyncset.done $0x0  }
0x32: {  	s31 =	ssub.s32 $0x2, s23;
	s25 =	smul.u32 $0xA, s25;
	[sflag:s22] =	ssyncadd.s32 $0xFFFFD800  }
0x33: {  	s26 =	sshrl.u32 s31, $0x1;
	_ =	swait.ge [sflag:s22], $0x2800  }
0x34: {  	s24 =	sadd.s32 s25, s24;
	s25 =	ssub.s32 s31, s26;
	[sflag:s22] =	ssyncset.done $0x0  }
0x35: {  	s23 =	sadd.s32 $0x29200, s24;
	s25 =	smax.u32 s25, $0x1;
	[sflag:s22] =	ssyncadd.s32 $0xFFFFD800  }
0x36: {  	[hbm4b:s23+s2] =	stream.linear.scatter [tilespmem:s9], [sflag:$0x2], $0xA000, $0x38;
	[tilespmem:$0x14400] =	vst v63  }
0x37: {  	p0 =	sne.s32 s25, $0x1;
	_ =	swait.ge [sflag:s3], $0xA000  }
.Ltmp0:
0x38: {  	[sflag:s3] =	ssyncset.done $0x0;
	(pc) =	sbr.rel @!p0 .LBB2_2-.Ltmp0, $4  }
0x39: {  	s24 =	sadd.s32 $0x1200, s24;
	[sflag:s3] =	ssyncadd.s32 $0xFFFF6000  }
0x3a: {  	[hbm4b:s24+s2] =	stream.linear.scatter [tilespmem:s10], [sflag:$0x2], $0xA000, $0x38;
	[tilespmem:$0x14400] =	vst v63  }
0x3b: {  	_ =	swait.ge [sflag:s3], $0xA000  }
0x3c: {  	s25 =	sadd.s32 $0xFFFFFFFF, s25;
	[sflag:s3] =	ssyncset.done $0x0  }
.LBB2_1:
0x3d: {  	p0 =	sne.s32 s25, $0x1;
	s25 =	sadd.s32 $0xFFFFFFFF, s25;
	[sflag:s3] =	ssyncadd.s32 $0xFFFF6000  }
0x3e: {  	[tilespmem:s2], [sflag:$0x2] =	stream.linear.gather [hbm4b:s4+s2], $0x200, $0x38;
	[tilespmem:$0x14400] =	vst v63  }
0x3f: {  	_ =	swait.ge [sflag:s3], $0x200  }
0x40: {  	[sflag:s3] =	ssyncset.done $0x0  }
0x41: {  	[sflag:s3] =	ssyncadd.s32 $0xFFFFFE00  }
0x42: {  	[tilespmem:s6], [sflag:$0x2] =	stream.linear.gather [hbm4b:s5+s2], $0x200, $0x38;
	[tilespmem:$0x14400] =	vst v63  }
0x43: {  	_ =	swait.ge [sflag:s3], $0x200  }
0x44: {  	[sflag:s3] =	ssyncset.done $0x0  }
0x45: {  	[sflag:s3] =	ssyncadd.s32 $0xFFFFFE00  }
0x46: {  	[tilespmem:s9], [sflag:$0x1] =	stream.indirect.gather [hbm4b:s7+s8], $0x50, s2, s8, $0xb8;
	[tilespmem:$0x14400] =	vst v63  }
0x47: {  	_ = 	snop  }
0x48: {  	[tilespmem:s10], [sflag:$0x1] =	stream.indirect.gather [hbm4b:s7+s8], $0x50, s6, s8, $0xb8;
	[tilespmem:$0x14400] =	vst v63  }
0x49: {  	_ = 	snop  }
0x4a: {  	[tilespmem:s11], [sflag:$0x1] =	stream.indirect.gather [hbm4b:s7+s8], $0x50, s8, s8, $0xb8;
	[tilespmem:$0x14400] =	vst v63  }
0x4b: {  	_ = 	snop  }
0x4c: {  	[tilespmem:s13], [sflag:$0x1] =	stream.indirect.gather [hbm4b:s7+s8], $0x50, s12, s8, $0xb8;
	[tilespmem:$0x14400] =	vst v63  }
0x4d: {  	_ = 	snop  }
0x4e: {  	[tilespmem:s15], [sflag:$0x1] =	stream.indirect.gather [hbm4b:s7+s8], $0x50, s14, s8, $0xb8;
	[tilespmem:$0x14400] =	vst v63  }
0x4f: {  	_ = 	snop  }
0x50: {  	[tilespmem:s17], [sflag:$0x1] =	stream.indirect.gather [hbm4b:s7+s8], $0x50, s16, s8, $0xb8;
	[tilespmem:$0x14400] =	vst v63  }
0x51: {  	_ = 	snop  }
0x52: {  	[tilespmem:s19], [sflag:$0x1] =	stream.indirect.gather [hbm4b:s7+s8], $0x50, s18, s8, $0xb8;
	[tilespmem:$0x14400] =	vst v63  }
0x53: {  	_ = 	snop  }
0x54: {  	[tilespmem:s21], [sflag:$0x1] =	stream.indirect.gather [hbm4b:s7+s8], $0x50, s20, s8, $0xb8;
	[tilespmem:$0x14400] =	vst v63  }
0x55: {  	_ =	swait.ge [sflag:s22], $0x2800  }
0x56: {  	[sflag:s22] =	ssyncset.done $0x0  }
0x57: {  	[sflag:s22] =	ssyncadd.s32 $0xFFFFD800  }
0x58: {  	_ =	swait.ge [sflag:s22], $0x2800  }
0x59: {  	[sflag:s22] =	ssyncset.done $0x0  }
0x5a: {  	[sflag:s22] =	ssyncadd.s32 $0xFFFFD800  }
0x5b: {  	_ =	swait.ge [sflag:s22], $0x2800  }
0x5c: {  	[sflag:s22] =	ssyncset.done $0x0  }
0x5d: {  	[sflag:s22] =	ssyncadd.s32 $0xFFFFD800  }
0x5e: {  	_ =	swait.ge [sflag:s22], $0x2800  }
0x5f: {  	[sflag:s22] =	ssyncset.done $0x0  }
0x60: {  	[sflag:s22] =	ssyncadd.s32 $0xFFFFD800  }
0x61: {  	_ =	swait.ge [sflag:s22], $0x2800  }
0x62: {  	[sflag:s22] =	ssyncset.done $0x0  }
0x63: {  	[sflag:s22] =	ssyncadd.s32 $0xFFFFD800  }
0x64: {  	_ =	swait.ge [sflag:s22], $0x2800  }
0x65: {  	[sflag:s22] =	ssyncset.done $0x0  }
0x66: {  	[sflag:s22] =	ssyncadd.s32 $0xFFFFD800  }
0x67: {  	_ =	swait.ge [sflag:s22], $0x2800  }
0x68: {  	[sflag:s22] =	ssyncset.done $0x0  }
0x69: {  	[sflag:s22] =	ssyncadd.s32 $0xFFFFD800  }
0x6a: {  	_ =	swait.ge [sflag:s22], $0x2800  }
0x6b: {  	[sflag:s22] =	ssyncset.done $0x0  }
0x6c: {  	[sflag:s22] =	ssyncadd.s32 $0xFFFFD800  }
0x6d: {  	[hbm4b:s23+s2] =	stream.linear.scatter [tilespmem:s9], [sflag:$0x2], $0xA000, $0x38;
	[tilespmem:$0x14400] =	vst v63  }
0x6e: {  	_ =	swait.ge [sflag:s3], $0xA000  }
.Ltmp1:
0x6f: {  	[sflag:s3] =	ssyncset.done $0x0;
	(pc) =	sbr.rel @p0 .LBB2_1-.Ltmp1, $4  }
0x70: {  	[sflag:s3] =	ssyncadd.s32 $0xFFFF6000  }
0x71: {  	[hbm4b:s24+s2] =	stream.linear.scatter [tilespmem:s10], [sflag:$0x2], $0xA000, $0x38;
	[tilespmem:$0x14400] =	vst v63  }
0x72: {  	_ =	swait.ge [sflag:s3], $0xA000  }
0x73: {  	[sflag:s3] =	ssyncset.done $0x0  }
.LBB2_2:
0x74: {  	[sflag:s3] =	ssyncadd.s32 $0xFFFF6000  }
0x75: {  	_ =	sfence.sel $0x180000  }
0x76: {  	[bflag:$0x0] =	sbarrier.arrive $0xFFFF  }
0x77: {  	p0 =	sne.s32 s0, $0x0;
	_ =	strace $0x90000047  }
0x78: {  	s0 =	sadd.s32 @!p0 $0x100000, s1;
	[bflag:$0x2] =	sbarrier.arrive $0xFFFF  }
0x79: {  	[sflag:s0] =	ssyncadd.tile.s32 @!p0 $0x1;
	_ =	shalt  }
.Lfunc_end2:
_tile_overlayer_lowered:
.L_overlay_start_2:
0x7a: {  	(tag) =	ssettag $0x2  }
0x7b: {  	s0 =	rddreg [dreg:$0x0];
	s2 =	stileid.u32  }
0x7c: {  	s1 =	rddreg [dreg:$0x1];
	p0 =	sne.s32 s2, $0x0  }
0x7d: {  	s3 =	rddreg [dreg:$0x2];
	[bflag:$0x3] =	sbarrier.arrive $0xFFFF;
	s2 =	simm.s32 @!p0 $0x1C02  }
0x7e: {  	[timem:s3], [sflag:s2] =	dma.local @!p0 [hbm:s0], s1  }
0x7f: {  	s0 =	simm.s32 @!p0 $0x2  }
0x80: {  	_ =	swait.ge @!p0 [sflag:s0], s1  }
0x81: {  	s1 =	ssub.s32 @!p0 $0x0, s1;
	[sflag:s0] =	ssyncset.done @!p0 $0x0  }
0x82: {  	[sflag:s0] =	ssyncadd.s32 @!p0 s1  }
0x83: {  	[bflag:$0x3] =	sbarrier.arrive $0xFFFF  }
0x84: {  	_ =	shalt  }

</sc_bundles>
